<compile_context>
chip_gen: v7x
topology: tpu7x:2x2x1
jax: 0.10.2.dev20260603
libtpu: 0.0.44.dev20260713+nightly
codegen_flags: <defaults>
</compile_context>

<pallas_src>
import jax
import jax.numpy as jnp
from jax.experimental import pallas as pl
from jax.experimental.pallas import tpu as pltpu
from jax.experimental.pallas import tpu_sc as plsc

_UP = 10
_K = 5
_STD_FACTOR = 3.0
_QB = 1024
_MB = 256
_NC = 2
_NS = 16
_NW = _NC * _NS
_LANES = 16

_IDX_BITS = 12
_IDX_MASK = -(1 << _IDX_BITS)
_IDX_LOW = (1 << _IDX_BITS) - 1


def _d2mat(q, p):
    qq = jnp.sum(q * q, axis=1, keepdims=True)
    pp = jnp.sum(p * p, axis=1)
    qp = jax.lax.dot_general(q, p, (((1,), (1,)), ((), ())),
                             preferred_element_type=jnp.float32)
    return qq + pp[None, :] - 2.0 * qp


def _min_onehot(cur, iota, n):
    m = jnp.min(cur, axis=1, keepdims=True)
    tie = cur == m
    j = jnp.min(jnp.where(tie, iota, n), axis=1, keepdims=True)
    return iota == j


def _scalar_mask(val, shape):
    r = jax.lax.broadcasted_iota(jnp.int32, shape, 0)
    c = jax.lax.broadcasted_iota(jnp.int32, shape, 1)
    return jnp.where((r == 0) & (c == 0), val, 0.0)


def _packed_keys(q, qq, pts):
    pp = jnp.sum(pts * pts, axis=1)
    qp2 = jax.lax.dot_general(q, pts + pts, (((1,), (1,)), ((), ())),
                              preferred_element_type=jnp.float32)
    d2 = jnp.maximum(qq + pp[None, :] - qp2, 1e-35)
    iota = jax.lax.broadcasted_iota(jnp.int32, d2.shape, 1)
    packed = (jax.lax.bitcast_convert_type(d2, jnp.int32)
              & jnp.int32(_IDX_MASK)) | iota
    return jax.lax.bitcast_convert_type(packed, jnp.float32)


def _key_value(m):
    mi = jax.lax.bitcast_convert_type(m, jnp.int32) & jnp.int32(_IDX_MASK)
    return jax.lax.bitcast_convert_type(mi, jnp.float32)


def _key_index(m):
    return jax.lax.bitcast_convert_type(m, jnp.int32) & jnp.int32(_IDX_LOW)


def _top5_mins(keys):
    kmins = [jnp.min(keys, axis=1, keepdims=True)]
    for _ in range(_K - 1):
        flt = jnp.where(keys > kmins[-1], keys, jnp.float32(jnp.inf))
        kmins.append(jnp.min(flt, axis=1, keepdims=True))
    return kmins


def _geo_kernel(q_ref, tgt_ref, src_ref, out_ref, jt_ref, js_ref, wn_ref):
    b = pl.program_id(0)
    qi = pl.program_id(1)

    @pl.when(jnp.logical_and(b == 0, qi == 0))
    def _():
        out_ref[...] = jnp.zeros_like(out_ref)

    q = q_ref[0]
    tp = tgt_ref[0]
    sp = src_ref[0]
    qq = jnp.sum(q * q, axis=1, keepdims=True)

    keys_t = _packed_keys(q, qq, tp)
    kmins_t = _top5_mins(keys_t)
    dks_t = [_key_value(m) for m in kmins_t]
    d1 = dks_t[0]
    w_list = [jnp.exp(d1 - dk) for dk in dks_t]
    udf_t = jnp.zeros_like(qq)
    for dk, w in zip(dks_t, w_list):
        udf_t = udf_t + jnp.sqrt(dk + 1e-10) * w

    z = w_list[0]
    for w in w_list[1:]:
        z = z + w
    inv_z = 1.0 / z

    keys_s = _packed_keys(q, qq, sp)
    kmins_s = _top5_mins(keys_s)
    udf_s = jnp.zeros_like(qq)
    for m, w in zip(kmins_s, w_list):
        udf_s = udf_s + jnp.sqrt(_key_value(m) + 1e-10) * w

    for k in range(_K):
        jt_ref[0, :, k:k + 1] = _key_index(kmins_t[k])
        js_ref[0, :, k:k + 1] = _key_index(kmins_s[k])
        wn_ref[0, :, k:k + 1] = w_list[k] * inv_z

    s = jnp.sum(jnp.abs(udf_t - udf_s) * inv_z)
    out_ref[...] += _scalar_mask(s, out_ref.shape)


def _grad_sc_kernel(jt_hbm, js_hbm, wn_hbm, tp_hbm, sp_hbm, out_hbm,
                    jt_v, js_v, wn_v, tp_v, sp_v, acc_v):
    cid = jax.lax.axis_index("c")
    sid = jax.lax.axis_index("s")
    wid = sid * _NC + cid
    nq = jt_v.shape[0] // 8
    b = wid // _NS
    qoff = (wid % _NS) * nq
    pltpu.sync_copy(jt_hbm.at[b, pl.ds(qoff * 8, nq * 8)], jt_v)
    pltpu.sync_copy(js_hbm.at[b, pl.ds(qoff * 8, nq * 8)], js_v)
    pltpu.sync_copy(wn_hbm.at[b, pl.ds(qoff * 8, nq * 8)], wn_v)
    pltpu.sync_copy(tp_hbm.at[b], tp_v)
    pltpu.sync_copy(sp_hbm.at[b], sp_v)

    lanes = jax.lax.broadcasted_iota(jnp.int32, (_LANES,), 0)

    def body(g, acc):
        qb = (lanes + g * _LANES) * 8
        a = [jnp.zeros((_LANES,), jnp.float32) for _ in range(3)]
        for k in range(_K):
            jtk4 = plsc.load_gather(jt_v, [qb + k]) * 4
            jsk4 = plsc.load_gather(js_v, [qb + k]) * 4
            wnk = plsc.load_gather(wn_v, [qb + k])
            for c in range(3):
                t = plsc.load_gather(tp_v, [jtk4 + c])
                s = plsc.load_gather(sp_v, [jsk4 + c])
                a[c] = a[c] + wnk * (t - s)
        return acc + jnp.abs(a[0]) + jnp.abs(a[1]) + jnp.abs(a[2])

    acc = jax.lax.fori_loop(0, (nq * 8) // 8 // _LANES, body,
                            jnp.zeros((_LANES,), jnp.float32))
    acc_v[...] = acc
    pltpu.sync_copy(acc_v, out_hbm.at[wid])


def _std_kernel(tq_ref, tp_ref, out_ref):
    tq = tq_ref[0]
    tp = tp_ref[0]
    d2 = _d2mat(tq, tp)
    mb, n = d2.shape
    iota = jax.lax.broadcasted_iota(jnp.int32, (mb, n), 1)
    oh1 = _min_onehot(d2, iota, n)
    cur = jnp.where(oh1, jnp.inf, d2)
    oh2 = _min_onehot(cur, iota, n)
    psel = jax.lax.dot_general(oh2.astype(jnp.float32), tp,
                               (((1,), (0,)), ((), ())),
                               preferred_element_type=jnp.float32)
    diff = tq - psel
    dk = jnp.sum(diff * diff, axis=1)
    std = jnp.sqrt(dk + 1e-10) * _STD_FACTOR
    out_ref[0] = jnp.broadcast_to(std[None, :], out_ref.shape[1:])


def _smooth_kernel(img_ref, out_ref):
    img = img_ref[...]
    h, w = img.shape[2], img.shape[3]
    acc = jnp.zeros(img.shape[:2] + (h - 2, w - 2), jnp.float32)
    for i in range(3):
        for j in range(3):
            acc = acc + img[:, :, i:i + h - 2, j:j + w - 2]
    mean = acc / 9.0
    mid = img[:, :, 1:h - 1, 1:w - 1]
    val = jnp.mean(jnp.abs(mid - mean))
    out_ref[...] = _scalar_mask(val, out_ref.shape)


def kernel(src, tgt, grid, ep, maxep, H, W):
    B, N, C = src.shape
    M = tgt.shape[1]
    Q = M * _UP + N

    std_full = pl.pallas_call(
        _std_kernel,
        grid=(B, M // _MB),
        in_specs=[
            pl.BlockSpec((1, _MB, C), lambda b, m: (b, m, 0)),
            pl.BlockSpec((1, M, C), lambda b, m: (b, 0, 0)),
        ],
        out_specs=pl.BlockSpec((1, 8, _MB), lambda b, m: (b, 0, m)),
        out_shape=jax.ShapeDtypeStruct((B, 8, M), jnp.float32),
    )(tgt, tgt)
    std = std_full[:, 0, :]

    qs = []
    for b in range(B):
        kb = jax.random.fold_in(jax.random.key(42), b)
        noise = jax.random.normal(kb, (M, _UP, C), dtype=jnp.float32)
        noise = noise * std[b][:, None, None]
        qn = (tgt[b][:, None, :] + noise).reshape(-1, C)
        qs.append(jnp.concatenate([qn, src[b]], axis=0))
    query = jnp.stack(qs)

    geo_out, jt, js, wn = pl.pallas_call(
        _geo_kernel,
        grid=(B, Q // _QB),
        in_specs=[
            pl.BlockSpec((1, _QB, C), lambda b, q: (b, q, 0)),
            pl.BlockSpec((1, M, C), lambda b, q: (b, 0, 0)),
            pl.BlockSpec((1, N, C), lambda b, q: (b, 0, 0)),
        ],
        out_specs=[
            pl.BlockSpec((8, 128), lambda b, q: (0, 0)),
            pl.BlockSpec((1, _QB, 8), lambda b, q: (b, q, 0)),
            pl.BlockSpec((1, _QB, 8), lambda b, q: (b, q, 0)),
            pl.BlockSpec((1, _QB, 8), lambda b, q: (b, q, 0)),
        ],
        out_shape=[
            jax.ShapeDtypeStruct((8, 128), jnp.float32),
            jax.ShapeDtypeStruct((B, Q, 8), jnp.int32),
            jax.ShapeDtypeStruct((B, Q, 8), jnp.int32),
            jax.ShapeDtypeStruct((B, Q, 8), jnp.float32),
        ],
    )(query, tgt, src)

    nq = B * Q // _NW
    tp_pad = jnp.concatenate(
        [tgt, jnp.zeros((B, M, 1), jnp.float32)], axis=2).reshape(B, M * 4)
    sp_pad = jnp.concatenate(
        [src, jnp.zeros((B, N, 1), jnp.float32)], axis=2).reshape(B, N * 4)
    grad_parts = pl.kernel(
        _grad_sc_kernel,
        out_type=jax.ShapeDtypeStruct((_NW, _LANES), jnp.float32),
        mesh=plsc.VectorSubcoreMesh(core_axis_name="c", subcore_axis_name="s"),
        compiler_params=pltpu.CompilerParams(needs_layout_passes=False),
        scratch_types=[
            pltpu.VMEM((nq * 8,), jnp.int32),
            pltpu.VMEM((nq * 8,), jnp.int32),
            pltpu.VMEM((nq * 8,), jnp.float32),
            pltpu.VMEM((M * 4,), jnp.float32),
            pltpu.VMEM((N * 4,), jnp.float32),
            pltpu.VMEM((_LANES,), jnp.float32),
        ],
    )(jt.reshape(B, Q * 8), js.reshape(B, Q * 8), wn.reshape(B, Q * 8),
      tp_pad, sp_pad)

    geo_total = (geo_out[0, 0] + jnp.sum(grad_parts)) / B / Q

    Hs = 64
    Ws = N // Hs
    src_img = jnp.transpose(src, (0, 2, 1)).reshape(B, C, Hs, Ws)
    smth_out = pl.pallas_call(
        _smooth_kernel,
        out_specs=pl.BlockSpec((8, 128), lambda: (0, 0)),
        out_shape=jax.ShapeDtypeStruct((8, 128), jnp.float32),
    )(src_img)
    smth = smth_out[0, 0]

    wsmth = (1.0 / maxep) ** 2 * (ep - maxep) ** 2
    hw_ratio = (H * W) / (Hs * Ws)
    return (geo_total + wsmth * smth) * hw_ratio

# --- scband reference (transcript-rebuilt; emitter-appended) ---
"""Pipeline reference for scband-geo-smth-nrm-flexcut-9062380995251 (READ-ONLY COPY).

The authoritative reference and input builder live on the scoring server;
editing this copy changes nothing except your own understanding.
"""

import jax, jax.numpy as jnp
import numpy as np

UP_RATIO = 10
KNN_K = 5
STD_FACTOR = 3


def _knn(query, pts, K):
    # brute-force knn equivalent to pytorch3d.ops.knn_points (squared dists, sorted ascending)
    q = jax.lax.stop_gradient(query)
    p = jax.lax.stop_gradient(pts)
    d2 = jnp.sum(q * q, axis=1)[:, None] + jnp.sum(p * p, axis=1)[None, :] - 2.0 * (q @ p.T)
    _, idx = jax.lax.top_k(-d2, K)  # smallest distances first
    knn_pc = pts[idx]  # differentiable gather [Q, K, 3]
    dists = jnp.sum((query[:, None, :] - knn_pc) ** 2, axis=-1)  # recompute diff'able sq dists
    return dists, idx, knn_pc


def _cal_udf_weights(x, query, K):
    dists, idx, knn_pc = _knn(query, x, K)
    dirv = query[:, None, :] - knn_pc
    weights = jax.nn.softmax(-dists, axis=1)
    udf = jnp.sum(jnp.sqrt(dists + 1e-10) * weights, axis=1)
    udf_grad = jnp.sum(dirv * weights[..., None], axis=1)
    return udf, udf_grad, weights


def _cal_udf(x, weights, query, K):
    dists, idx, knn_pc = _knn(query, x, K)
    dirv = query[:, None, :] - knn_pc
    udf = jnp.sum(jnp.sqrt(dists + 1e-10) * weights, axis=1)
    udf_grad = jnp.sum(dirv * weights[..., None], axis=1)
    return udf, udf_grad


def _geo_loss(src, tgt):
    B = src.shape[0]
    Qn = tgt.shape[1] * UP_RATIO + src.shape[1]
    total = 0.0
    for b in range(B):
        tb = tgt[b]
        sb = src[b]
        key = jax.random.fold_in(jax.random.key(42), b)
        # no_grad block in torch -> stop_gradient here
        tb_sg = jax.lax.stop_gradient(tb)
        d2_self, _, _ = _knn(tb_sg, tb_sg, 2)
        self_d = jnp.sqrt(d2_self[:, 1:] + 1e-10)  # [M,1] nearest non-self
        std = self_d * STD_FACTOR
        noise = jax.random.normal(key, (tb.shape[0], UP_RATIO, 3), dtype=jnp.float32) * std[:, :, None]
        qn = (tb_sg[:, None, :] + noise).reshape(-1, 3)
        qn = jax.lax.stop_gradient(qn)
        query = jnp.concatenate([qn, sb], axis=0)  # src part stays differentiable
        udf_t, udf_g_t, w = _cal_udf_weights(tb, query, KNN_K)
        udf_s, udf_g_s = _cal_udf(sb, w, query, KNN_K)
        udf_err = jnp.abs(udf_t - udf_s)
        udf_g_err = jnp.sum(jnp.abs(udf_g_s - udf_g_t), axis=-1)
        total = total + jnp.sum(udf_err + udf_g_err)
    return total / B / Qn


def _smooth(img):
    # torch.nn.Unfold(3) equivalent smoothness loss
    B, C, H, W = img.shape
    patches = jnp.stack([img[:, :, i:i + H - 2, j:j + W - 2] for i in range(3) for j in range(3)], axis=2)
    mid = patches[:, :, 4]  # window center (1,1)
    mean = jnp.mean(patches, axis=2)
    return jnp.mean(jnp.abs(mid - mean))


def _forward(src, tgt, grid, ep, maxep, H, W):
    # ep >= 1000 path: normal-smoothness branch (which needs src = f(grid) autograd) is skipped
    wsmth = (1.0 / maxep) ** 2 * (ep - maxep) ** 2
    wgeo = 1.0
    B, N, C = src.shape
    Hs = 64
    Ws = N // Hs
    src_img = jnp.transpose(src, (0, 2, 1)).reshape(B, C, Hs, Ws)
    hw_ratio = (H * W) / (Hs * Ws)
    return (wgeo * _geo_loss(src, tgt) + wsmth * _smooth(src_img)) * hw_ratio


def setup_inputs(seed: int = 0):
    key = jax.random.key(seed)
    k1, k2, k3 = jax.random.split(key, 3)
    src = jax.random.normal(k1, (2, 4096, 3), dtype=jnp.float32)
    tgt = jax.random.normal(k2, (2, 2048, 3), dtype=jnp.float32)
    grid = jax.random.uniform(k3, (2, 4096, 2), dtype=jnp.float32)
    return {"src": src, "tgt": tgt, "grid": grid, "ep": 1000, "maxep": 2000, "H": 64, "W": 64}


def reference(src, tgt, grid, ep, maxep, H, W):
    return _forward(src, tgt, grid, ep, maxep, H, W)

if __name__ == "__main__":
    import jax
    _d = setup_inputs()
    print(jax.jit(kernel)(*tuple(_d.values())))

</pallas_src>

<mosaic_0001>
#map = affine_map<(d0, d1) -> (0, 0)>
module attributes {stable_mosaic.version = 14 : i64} {
  func.func @_grad_sc_kernel(%arg0: i32, %arg1: i32, %arg2: memref<2x196608xi32, #tpu.memory_space<hbm>>, %arg3: memref<2x196608xi32, #tpu.memory_space<hbm>>, %arg4: memref<2x196608xf32, #tpu.memory_space<hbm>>, %arg5: memref<2x8192xf32, #tpu.memory_space<hbm>>, %arg6: memref<2x16384xf32, #tpu.memory_space<hbm>>, %arg7: memref<32x16xf32, #tpu.memory_space<hbm>>, %arg8: memref<12288xi32, #tpu.memory_space<vmem>>, %arg9: memref<12288xi32, #tpu.memory_space<vmem>>, %arg10: memref<12288xf32, #tpu.memory_space<vmem>>, %arg11: memref<8192xf32, #tpu.memory_space<vmem>>, %arg12: memref<16384xf32, #tpu.memory_space<vmem>>, %arg13: memref<16xf32, #tpu.memory_space<vmem>>) attributes {dimension_semantics = [#tpu.dimension_semantics<core_parallel>, #tpu.dimension_semantics<subcore_parallel>], iteration_bounds = array<i64: 2, 16>, scalar_prefetch = 0 : i64, scratch_operands = 6 : i64, tpu.core_type = #tpu.core_type<sc_vector_subcore>, window_params = [{transform_indices = #map}, {transform_indices = #map}, {transform_indices = #map}, {transform_indices = #map}, {transform_indices = #map}, {transform_indices = #map}]} {
    %mul3A = arith.constant 2 : i32
    %mul3A_0 = arith.muli %arg1, %mul3A : i32
    %add3A = arith.addi %mul3A_0, %arg0 : i32
    %jit3A = arith.constant 16 : i32
    %div3A = arith.divsi %add3A, %jit3A : i32
    %sign3A = arith.constant 0 : i32
    %sign3A_1 = arith.cmpi sgt, %add3A, %sign3A : i32
    %sign3A_2 = arith.extui %sign3A_1 : i1 to i32
    %sign3A_3 = arith.constant 0 : i32
    %sign3A_4 = arith.cmpi slt, %add3A, %sign3A_3 : i32
    %sign3A_5 = arith.extui %sign3A_4 : i1 to i32
    %sign3A_6 = arith.subi %sign3A_2, %sign3A_5 : i32
    %sign3A_7 = arith.constant 0 : i32
    %sign3A_8 = arith.cmpi sgt, %jit3A, %sign3A_7 : i32
    %sign3A_9 = arith.extui %sign3A_8 : i1 to i32
    %sign3A_10 = arith.constant 0 : i32
    %sign3A_11 = arith.cmpi slt, %jit3A, %sign3A_10 : i32
    %sign3A_12 = arith.extui %sign3A_11 : i1 to i32
    %sign3A_13 = arith.subi %sign3A_9, %sign3A_12 : i32
    %ne3A = arith.cmpi ne, %sign3A_6, %sign3A_13 : i32
    %rem3A = arith.remsi %add3A, %jit3A : i32
    %ne3A_14 = arith.constant 0 : i32
    %ne3A_15 = arith.cmpi ne, %rem3A, %ne3A_14 : i32
    %and3A = arith.andi %ne3A, %ne3A_15 : i1
    %sub3A = arith.constant 1 : i32
    %sub3A_16 = arith.subi %div3A, %sub3A : i32
    %select_n3A = arith.select %and3A, %sub3A_16, %div3A : i32
    %jit3A_17 = arith.constant 16 : i32
    %eq3A = arith.constant 0 : i32
    %eq3A_18 = arith.cmpi eq, %jit3A_17, %eq3A : i32
    %jit3A_19 = arith.constant 1 : i32
    %select_n3A_20 = arith.select %eq3A_18, %jit3A_19, %jit3A_17 : i32
    %rem3A_21 = arith.remsi %add3A, %select_n3A_20 : i32
    %ne3A_22 = arith.constant 0 : i32
    %ne3A_23 = arith.cmpi ne, %rem3A_21, %ne3A_22 : i32
    %lt3A = arith.constant 0 : i32
    %lt3A_24 = arith.cmpi slt, %rem3A_21, %lt3A : i32
    %lt3A_25 = arith.constant 0 : i32
    %lt3A_26 = arith.cmpi slt, %select_n3A_20, %lt3A_25 : i32
    %ne3A_27 = arith.xori %lt3A_24, %lt3A_26 : i1
    %and3A_28 = arith.andi %ne3A_27, %ne3A_23 : i1
    %add3A_29 = arith.addi %rem3A_21, %select_n3A_20 : i32
    %select_n3A_30 = arith.select %and3A_28, %add3A_29, %rem3A_21 : i32
    %mul3A_31 = arith.constant 1536 : i32
    %mul3A_32 = arith.muli %select_n3A_30, %mul3A_31 : i32
    %mul3A_33 = arith.constant 8 : i32
    %mul3A_34 = arith.muli %mul3A_32, %mul3A_33 : i32
    "tpu.region"() ({
      %run_scoped3A = tpu.sem_alloc : memref<!tpu.dma_semaphore, #tpu.memory_space<semaphore_mem>>
      %dma_start3A = tpu.memref_slice %arg2[%select_n3A, %mul3A_34] : memref<2x196608xi32, #tpu.memory_space<hbm>> -> memref<1x12288xi32, #tpu.memory_space<hbm>>
      %dma_start3A_46 = tpu.memref_squeeze %dma_start3A : memref<1x12288xi32, #tpu.memory_space<hbm>> -> memref<12288xi32, #tpu.memory_space<hbm>>
      %dma_start3A_47 = tpu.memref_slice %arg2[%select_n3A, %mul3A_34] : memref<2x196608xi32, #tpu.memory_space<hbm>> -> memref<1x12288xi32, #tpu.memory_space<hbm>>
      %dma_start3A_48 = tpu.memref_squeeze %dma_start3A_47 : memref<1x12288xi32, #tpu.memory_space<hbm>> -> memref<12288xi32, #tpu.memory_space<hbm>>
      tpu.enqueue_dma source(%dma_start3A_48 : memref<12288xi32, #tpu.memory_space<hbm>>) target(%arg8 : memref<12288xi32, #tpu.memory_space<vmem>>) target_semaphore(%run_scoped3A : memref<!tpu.dma_semaphore, #tpu.memory_space<semaphore_mem>>)
      %dma_wait3A = tpu.memref_slice %arg2[%select_n3A, %mul3A_34] : memref<2x196608xi32, #tpu.memory_space<hbm>> -> memref<1x12288xi32, #tpu.memory_space<hbm>>
      %dma_wait3A_49 = tpu.memref_squeeze %dma_wait3A : memref<1x12288xi32, #tpu.memory_space<hbm>> -> memref<12288xi32, #tpu.memory_space<hbm>>
      %dma_wait3A_50 = tpu.memref_slice %arg2[%select_n3A, %mul3A_34] : memref<2x196608xi32, #tpu.memory_space<hbm>> -> memref<1x12288xi32, #tpu.memory_space<hbm>>
      %dma_wait3A_51 = tpu.memref_squeeze %dma_wait3A_50 : memref<1x12288xi32, #tpu.memory_space<hbm>> -> memref<12288xi32, #tpu.memory_space<hbm>>
      tpu.wait_dma2 semaphore(%run_scoped3A : memref<!tpu.dma_semaphore, #tpu.memory_space<semaphore_mem>>) src(%dma_wait3A_51 : memref<12288xi32, #tpu.memory_space<hbm>>) dst(%arg8 : memref<12288xi32, #tpu.memory_space<vmem>>)
      tpu.yield
    }) : () -> ()
    %mul3A_35 = arith.constant 8 : i32
    %mul3A_36 = arith.muli %mul3A_32, %mul3A_35 : i32
    "tpu.region"() ({
      %run_scoped3A = tpu.sem_alloc : memref<!tpu.dma_semaphore, #tpu.memory_space<semaphore_mem>>
      %dma_start3A = tpu.memref_slice %arg3[%select_n3A, %mul3A_36] : memref<2x196608xi32, #tpu.memory_space<hbm>> -> memref<1x12288xi32, #tpu.memory_space<hbm>>
      %dma_start3A_46 = tpu.memref_squeeze %dma_start3A : memref<1x12288xi32, #tpu.memory_space<hbm>> -> memref<12288xi32, #tpu.memory_space<hbm>>
      %dma_start3A_47 = tpu.memref_slice %arg3[%select_n3A, %mul3A_36] : memref<2x196608xi32, #tpu.memory_space<hbm>> -> memref<1x12288xi32, #tpu.memory_space<hbm>>
      %dma_start3A_48 = tpu.memref_squeeze %dma_start3A_47 : memref<1x12288xi32, #tpu.memory_space<hbm>> -> memref<12288xi32, #tpu.memory_space<hbm>>
      tpu.enqueue_dma source(%dma_start3A_48 : memref<12288xi32, #tpu.memory_space<hbm>>) target(%arg9 : memref<12288xi32, #tpu.memory_space<vmem>>) target_semaphore(%run_scoped3A : memref<!tpu.dma_semaphore, #tpu.memory_space<semaphore_mem>>)
      %dma_wait3A = tpu.memref_slice %arg3[%select_n3A, %mul3A_36] : memref<2x196608xi32, #tpu.memory_space<hbm>> -> memref<1x12288xi32, #tpu.memory_space<hbm>>
      %dma_wait3A_49 = tpu.memref_squeeze %dma_wait3A : memref<1x12288xi32, #tpu.memory_space<hbm>> -> memref<12288xi32, #tpu.memory_space<hbm>>
      %dma_wait3A_50 = tpu.memref_slice %arg3[%select_n3A, %mul3A_36] : memref<2x196608xi32, #tpu.memory_space<hbm>> -> memref<1x12288xi32, #tpu.memory_space<hbm>>
      %dma_wait3A_51 = tpu.memref_squeeze %dma_wait3A_50 : memref<1x12288xi32, #tpu.memory_space<hbm>> -> memref<12288xi32, #tpu.memory_space<hbm>>
      tpu.wait_dma2 semaphore(%run_scoped3A : memref<!tpu.dma_semaphore, #tpu.memory_space<semaphore_mem>>) src(%dma_wait3A_51 : memref<12288xi32, #tpu.memory_space<hbm>>) dst(%arg9 : memref<12288xi32, #tpu.memory_space<vmem>>)
      tpu.yield
    }) : () -> ()
    %mul3A_37 = arith.constant 8 : i32
    %mul3A_38 = arith.muli %mul3A_32, %mul3A_37 : i32
    "tpu.region"() ({
      %run_scoped3A = tpu.sem_alloc : memref<!tpu.dma_semaphore, #tpu.memory_space<semaphore_mem>>
      %dma_start3A = tpu.memref_slice %arg4[%select_n3A, %mul3A_38] : memref<2x196608xf32, #tpu.memory_space<hbm>> -> memref<1x12288xf32, #tpu.memory_space<hbm>>
      %dma_start3A_46 = tpu.memref_squeeze %dma_start3A : memref<1x12288xf32, #tpu.memory_space<hbm>> -> memref<12288xf32, #tpu.memory_space<hbm>>
      %dma_start3A_47 = tpu.memref_slice %arg4[%select_n3A, %mul3A_38] : memref<2x196608xf32, #tpu.memory_space<hbm>> -> memref<1x12288xf32, #tpu.memory_space<hbm>>
      %dma_start3A_48 = tpu.memref_squeeze %dma_start3A_47 : memref<1x12288xf32, #tpu.memory_space<hbm>> -> memref<12288xf32, #tpu.memory_space<hbm>>
      tpu.enqueue_dma source(%dma_start3A_48 : memref<12288xf32, #tpu.memory_space<hbm>>) target(%arg10 : memref<12288xf32, #tpu.memory_space<vmem>>) target_semaphore(%run_scoped3A : memref<!tpu.dma_semaphore, #tpu.memory_space<semaphore_mem>>)
      %dma_wait3A = tpu.memref_slice %arg4[%select_n3A, %mul3A_38] : memref<2x196608xf32, #tpu.memory_space<hbm>> -> memref<1x12288xf32, #tpu.memory_space<hbm>>
      %dma_wait3A_49 = tpu.memref_squeeze %dma_wait3A : memref<1x12288xf32, #tpu.memory_space<hbm>> -> memref<12288xf32, #tpu.memory_space<hbm>>
      %dma_wait3A_50 = tpu.memref_slice %arg4[%select_n3A, %mul3A_38] : memref<2x196608xf32, #tpu.memory_space<hbm>> -> memref<1x12288xf32, #tpu.memory_space<hbm>>
      %dma_wait3A_51 = tpu.memref_squeeze %dma_wait3A_50 : memref<1x12288xf32, #tpu.memory_space<hbm>> -> memref<12288xf32, #tpu.memory_space<hbm>>
      tpu.wait_dma2 semaphore(%run_scoped3A : memref<!tpu.dma_semaphore, #tpu.memory_space<semaphore_mem>>) src(%dma_wait3A_51 : memref<12288xf32, #tpu.memory_space<hbm>>) dst(%arg10 : memref<12288xf32, #tpu.memory_space<vmem>>)
      tpu.yield
    }) : () -> ()
    "tpu.region"() ({
      %run_scoped3A = tpu.sem_alloc : memref<!tpu.dma_semaphore, #tpu.memory_space<semaphore_mem>>
      %dma_start3A = arith.constant 0 : i32
      %dma_start3A_46 = tpu.memref_slice %arg5[%select_n3A, %dma_start3A] : memref<2x8192xf32, #tpu.memory_space<hbm>> -> memref<1x8192xf32, #tpu.memory_space<hbm>>
      %dma_start3A_47 = tpu.memref_squeeze %dma_start3A_46 : memref<1x8192xf32, #tpu.memory_space<hbm>> -> memref<8192xf32, #tpu.memory_space<hbm>>
      %dma_start3A_48 = arith.constant 0 : i32
      %dma_start3A_49 = tpu.memref_slice %arg5[%select_n3A, %dma_start3A_48] : memref<2x8192xf32, #tpu.memory_space<hbm>> -> memref<1x8192xf32, #tpu.memory_space<hbm>>
      %dma_start3A_50 = tpu.memref_squeeze %dma_start3A_49 : memref<1x8192xf32, #tpu.memory_space<hbm>> -> memref<8192xf32, #tpu.memory_space<hbm>>
      tpu.enqueue_dma source(%dma_start3A_50 : memref<8192xf32, #tpu.memory_space<hbm>>) target(%arg11 : memref<8192xf32, #tpu.memory_space<vmem>>) target_semaphore(%run_scoped3A : memref<!tpu.dma_semaphore, #tpu.memory_space<semaphore_mem>>)
      %dma_wait3A = arith.constant 0 : i32
      %dma_wait3A_51 = tpu.memref_slice %arg5[%select_n3A, %dma_wait3A] : memref<2x8192xf32, #tpu.memory_space<hbm>> -> memref<1x8192xf32, #tpu.memory_space<hbm>>
      %dma_wait3A_52 = tpu.memref_squeeze %dma_wait3A_51 : memref<1x8192xf32, #tpu.memory_space<hbm>> -> memref<8192xf32, #tpu.memory_space<hbm>>
      %dma_wait3A_53 = arith.constant 0 : i32
      %dma_wait3A_54 = tpu.memref_slice %arg5[%select_n3A, %dma_wait3A_53] : memref<2x8192xf32, #tpu.memory_space<hbm>> -> memref<1x8192xf32, #tpu.memory_space<hbm>>
      %dma_wait3A_55 = tpu.memref_squeeze %dma_wait3A_54 : memref<1x8192xf32, #tpu.memory_space<hbm>> -> memref<8192xf32, #tpu.memory_space<hbm>>
      tpu.wait_dma2 semaphore(%run_scoped3A : memref<!tpu.dma_semaphore, #tpu.memory_space<semaphore_mem>>) src(%dma_wait3A_55 : memref<8192xf32, #tpu.memory_space<hbm>>) dst(%arg11 : memref<8192xf32, #tpu.memory_space<vmem>>)
      tpu.yield
    }) : () -> ()
    "tpu.region"() ({
      %run_scoped3A = tpu.sem_alloc : memref<!tpu.dma_semaphore, #tpu.memory_space<semaphore_mem>>
      %dma_start3A = arith.constant 0 : i32
      %dma_start3A_46 = tpu.memref_slice %arg6[%select_n3A, %dma_start3A] : memref<2x16384xf32, #tpu.memory_space<hbm>> -> memref<1x16384xf32, #tpu.memory_space<hbm>>
      %dma_start3A_47 = tpu.memref_squeeze %dma_start3A_46 : memref<1x16384xf32, #tpu.memory_space<hbm>> -> memref<16384xf32, #tpu.memory_space<hbm>>
      %dma_start3A_48 = arith.constant 0 : i32
      %dma_start3A_49 = tpu.memref_slice %arg6[%select_n3A, %dma_start3A_48] : memref<2x16384xf32, #tpu.memory_space<hbm>> -> memref<1x16384xf32, #tpu.memory_space<hbm>>
      %dma_start3A_50 = tpu.memref_squeeze %dma_start3A_49 : memref<1x16384xf32, #tpu.memory_space<hbm>> -> memref<16384xf32, #tpu.memory_space<hbm>>
      tpu.enqueue_dma source(%dma_start3A_50 : memref<16384xf32, #tpu.memory_space<hbm>>) target(%arg12 : memref<16384xf32, #tpu.memory_space<vmem>>) target_semaphore(%run_scoped3A : memref<!tpu.dma_semaphore, #tpu.memory_space<semaphore_mem>>)
      %dma_wait3A = arith.constant 0 : i32
      %dma_wait3A_51 = tpu.memref_slice %arg6[%select_n3A, %dma_wait3A] : memref<2x16384xf32, #tpu.memory_space<hbm>> -> memref<1x16384xf32, #tpu.memory_space<hbm>>
      %dma_wait3A_52 = tpu.memref_squeeze %dma_wait3A_51 : memref<1x16384xf32, #tpu.memory_space<hbm>> -> memref<16384xf32, #tpu.memory_space<hbm>>
      %dma_wait3A_53 = arith.constant 0 : i32
      %dma_wait3A_54 = tpu.memref_slice %arg6[%select_n3A, %dma_wait3A_53] : memref<2x16384xf32, #tpu.memory_space<hbm>> -> memref<1x16384xf32, #tpu.memory_space<hbm>>
      %dma_wait3A_55 = tpu.memref_squeeze %dma_wait3A_54 : memref<1x16384xf32, #tpu.memory_space<hbm>> -> memref<16384xf32, #tpu.memory_space<hbm>>
      tpu.wait_dma2 semaphore(%run_scoped3A : memref<!tpu.dma_semaphore, #tpu.memory_space<semaphore_mem>>) src(%dma_wait3A_55 : memref<16384xf32, #tpu.memory_space<hbm>>) dst(%arg12 : memref<16384xf32, #tpu.memory_space<vmem>>)
      tpu.yield
    }) : () -> ()
    %iota3A = tpu.iota {dimensions = array<i32: 0>} : vector<16xi32>
    %broadcast_in_dim3A = arith.constant 0.000000e+00 : f32
    %broadcast_in_dim3A_39 = vector.broadcast %broadcast_in_dim3A : f32 to vector<16xf32>
    %scan3A = arith.constant 0 : i32
    %scan3A_40 = arith.constant 96 : i32
    %scan3A_41 = arith.addi %scan3A, %scan3A_40 : i32
    %scan3A_42 = arith.constant 1 : i32
    %scan3A_43 = scf.for %scan3A_46 = %scan3A to %scan3A_41 step %scan3A_42 iter_args(%scan3A_47 = %broadcast_in_dim3A_39) -> (vector<16xf32>)  : i32 {
      %mul3A_48 = arith.constant 16 : i32
      %mul3A_49 = arith.muli %scan3A_46, %mul3A_48 : i32
      %add3A_50 = vector.broadcast %mul3A_49 : i32 to vector<16xi32>
      %add3A_51 = arith.addi %iota3A, %add3A_50 : vector<16xi32>
      %mul3A_52 = arith.constant 8 : i32
      %mul3A_53 = vector.broadcast %mul3A_52 : i32 to vector<16xi32>
      %mul3A_54 = arith.muli %add3A_51, %mul3A_53 : vector<16xi32>
      %broadcast_in_dim3A_55 = arith.constant 0.000000e+00 : f32
      %broadcast_in_dim3A_56 = vector.broadcast %broadcast_in_dim3A_55 : f32 to vector<16xf32>
      %broadcast_in_dim3A_57 = arith.constant 0.000000e+00 : f32
      %broadcast_in_dim3A_58 = vector.broadcast %broadcast_in_dim3A_57 : f32 to vector<16xf32>
      %broadcast_in_dim3A_59 = arith.constant 0.000000e+00 : f32
      %broadcast_in_dim3A_60 = vector.broadcast %broadcast_in_dim3A_59 : f32 to vector<16xf32>
      %add3A_61 = arith.constant 0 : i32
      %add3A_62 = vector.broadcast %add3A_61 : i32 to vector<16xi32>
      %add3A_63 = arith.addi %mul3A_54, %add3A_62 : vector<16xi32>
      %gather3A = tpu.vector_load_idx %arg8[%add3A_63] : memref<12288xi32, #tpu.memory_space<vmem>>[vector<16xi32>], vector<16xi32>,
      %mul3A_64 = arith.constant 4 : i32
      %mul3A_65 = vector.broadcast %mul3A_64 : i32 to vector<16xi32>
      %mul3A_66 = arith.muli %gather3A, %mul3A_65 : vector<16xi32>
      %add3A_67 = arith.constant 0 : i32
      %add3A_68 = vector.broadcast %add3A_67 : i32 to vector<16xi32>
      %add3A_69 = arith.addi %mul3A_54, %add3A_68 : vector<16xi32>
      %gather3A_70 = tpu.vector_load_idx %arg9[%add3A_69] : memref<12288xi32, #tpu.memory_space<vmem>>[vector<16xi32>], vector<16xi32>,
      %mul3A_71 = arith.constant 4 : i32
      %mul3A_72 = vector.broadcast %mul3A_71 : i32 to vector<16xi32>
      %mul3A_73 = arith.muli %gather3A_70, %mul3A_72 : vector<16xi32>
      %add3A_74 = arith.constant 0 : i32
      %add3A_75 = vector.broadcast %add3A_74 : i32 to vector<16xi32>
      %add3A_76 = arith.addi %mul3A_54, %add3A_75 : vector<16xi32>
      %gather3A_77 = tpu.vector_load_idx %arg10[%add3A_76] : memref<12288xf32, #tpu.memory_space<vmem>>[vector<16xi32>], vector<16xf32>,
      %add3A_78 = arith.constant 0 : i32
      %add3A_79 = vector.broadcast %add3A_78 : i32 to vector<16xi32>
      %add3A_80 = arith.addi %mul3A_66, %add3A_79 : vector<16xi32>
      %gather3A_81 = tpu.vector_load_idx %arg11[%add3A_80] : memref<8192xf32, #tpu.memory_space<vmem>>[vector<16xi32>], vector<16xf32>,
      %add3A_82 = arith.constant 0 : i32
      %add3A_83 = vector.broadcast %add3A_82 : i32 to vector<16xi32>
      %add3A_84 = arith.addi %mul3A_73, %add3A_83 : vector<16xi32>
      %gather3A_85 = tpu.vector_load_idx %arg12[%add3A_84] : memref<16384xf32, #tpu.memory_space<vmem>>[vector<16xi32>], vector<16xf32>,
      %sub3A_86 = arith.subf %gather3A_81, %gather3A_85 : vector<16xf32>
      %mul3A_87 = arith.mulf %gather3A_77, %sub3A_86 : vector<16xf32>
      %add3A_88 = arith.addf %broadcast_in_dim3A_56, %mul3A_87 : vector<16xf32>
      %add3A_89 = arith.constant 1 : i32
      %add3A_90 = vector.broadcast %add3A_89 : i32 to vector<16xi32>
      %add3A_91 = arith.addi %mul3A_66, %add3A_90 : vector<16xi32>
      %gather3A_92 = tpu.vector_load_idx %arg11[%add3A_91] : memref<8192xf32, #tpu.memory_space<vmem>>[vector<16xi32>], vector<16xf32>,
      %add3A_93 = arith.constant 1 : i32
      %add3A_94 = vector.broadcast %add3A_93 : i32 to vector<16xi32>
      %add3A_95 = arith.addi %mul3A_73, %add3A_94 : vector<16xi32>
      %gather3A_96 = tpu.vector_load_idx %arg12[%add3A_95] : memref<16384xf32, #tpu.memory_space<vmem>>[vector<16xi32>], vector<16xf32>,
      %sub3A_97 = arith.subf %gather3A_92, %gather3A_96 : vector<16xf32>
      %mul3A_98 = arith.mulf %gather3A_77, %sub3A_97 : vector<16xf32>
      %add3A_99 = arith.addf %broadcast_in_dim3A_58, %mul3A_98 : vector<16xf32>
      %add3A_100 = arith.constant 2 : i32
      %add3A_101 = vector.broadcast %add3A_100 : i32 to vector<16xi32>
      %add3A_102 = arith.addi %mul3A_66, %add3A_101 : vector<16xi32>
      %gather3A_103 = tpu.vector_load_idx %arg11[%add3A_102] : memref<8192xf32, #tpu.memory_space<vmem>>[vector<16xi32>], vector<16xf32>,
      %add3A_104 = arith.constant 2 : i32
      %add3A_105 = vector.broadcast %add3A_104 : i32 to vector<16xi32>
      %add3A_106 = arith.addi %mul3A_73, %add3A_105 : vector<16xi32>
      %gather3A_107 = tpu.vector_load_idx %arg12[%add3A_106] : memref<16384xf32, #tpu.memory_space<vmem>>[vector<16xi32>], vector<16xf32>,
      %sub3A_108 = arith.subf %gather3A_103, %gather3A_107 : vector<16xf32>
      %mul3A_109 = arith.mulf %gather3A_77, %sub3A_108 : vector<16xf32>
      %add3A_110 = arith.addf %broadcast_in_dim3A_60, %mul3A_109 : vector<16xf32>
      %add3A_111 = arith.constant 1 : i32
      %add3A_112 = vector.broadcast %add3A_111 : i32 to vector<16xi32>
      %add3A_113 = arith.addi %mul3A_54, %add3A_112 : vector<16xi32>
      %gather3A_114 = tpu.vector_load_idx %arg8[%add3A_113] : memref<12288xi32, #tpu.memory_space<vmem>>[vector<16xi32>], vector<16xi32>,
      %mul3A_115 = arith.constant 4 : i32
      %mul3A_116 = vector.broadcast %mul3A_115 : i32 to vector<16xi32>
      %mul3A_117 = arith.muli %gather3A_114, %mul3A_116 : vector<16xi32>
      %add3A_118 = arith.constant 1 : i32
      %add3A_119 = vector.broadcast %add3A_118 : i32 to vector<16xi32>
      %add3A_120 = arith.addi %mul3A_54, %add3A_119 : vector<16xi32>
      %gather3A_121 = tpu.vector_load_idx %arg9[%add3A_120] : memref<12288xi32, #tpu.memory_space<vmem>>[vector<16xi32>], vector<16xi32>,
      %mul3A_122 = arith.constant 4 : i32
      %mul3A_123 = vector.broadcast %mul3A_122 : i32 to vector<16xi32>
      %mul3A_124 = arith.muli %gather3A_121, %mul3A_123 : vector<16xi32>
      %add3A_125 = arith.constant 1 : i32
      %add3A_126 = vector.broadcast %add3A_125 : i32 to vector<16xi32>
      %add3A_127 = arith.addi %mul3A_54, %add3A_126 : vector<16xi32>
      %gather3A_128 = tpu.vector_load_idx %arg10[%add3A_127] : memref<12288xf32, #tpu.memory_space<vmem>>[vector<16xi32>], vector<16xf32>,
      %add3A_129 = arith.constant 0 : i32
      %add3A_130 = vector.broadcast %add3A_129 : i32 to vector<16xi32>
      %add3A_131 = arith.addi %mul3A_117, %add3A_130 : vector<16xi32>
      %gather3A_132 = tpu.vector_load_idx %arg11[%add3A_131] : memref<8192xf32, #tpu.memory_space<vmem>>[vector<16xi32>], vector<16xf32>,
      %add3A_133 = arith.constant 0 : i32
      %add3A_134 = vector.broadcast %add3A_133 : i32 to vector<16xi32>
      %add3A_135 = arith.addi %mul3A_124, %add3A_134 : vector<16xi32>
      %gather3A_136 = tpu.vector_load_idx %arg12[%add3A_135] : memref<16384xf32, #tpu.memory_space<vmem>>[vector<16xi32>], vector<16xf32>,
      %sub3A_137 = arith.subf %gather3A_132, %gather3A_136 : vector<16xf32>
      %mul3A_138 = arith.mulf %gather3A_128, %sub3A_137 : vector<16xf32>
      %add3A_139 = arith.addf %add3A_88, %mul3A_138 : vector<16xf32>
      %add3A_140 = arith.constant 1 : i32
      %add3A_141 = vector.broadcast %add3A_140 : i32 to vector<16xi32>
      %add3A_142 = arith.addi %mul3A_117, %add3A_141 : vector<16xi32>
      %gather3A_143 = tpu.vector_load_idx %arg11[%add3A_142] : memref<8192xf32, #tpu.memory_space<vmem>>[vector<16xi32>], vector<16xf32>,
      %add3A_144 = arith.constant 1 : i32
      %add3A_145 = vector.broadcast %add3A_144 : i32 to vector<16xi32>
      %add3A_146 = arith.addi %mul3A_124, %add3A_145 : vector<16xi32>
      %gather3A_147 = tpu.vector_load_idx %arg12[%add3A_146] : memref<16384xf32, #tpu.memory_space<vmem>>[vector<16xi32>], vector<16xf32>,
      %sub3A_148 = arith.subf %gather3A_143, %gather3A_147 : vector<16xf32>
      %mul3A_149 = arith.mulf %gather3A_128, %sub3A_148 : vector<16xf32>
      %add3A_150 = arith.addf %add3A_99, %mul3A_149 : vector<16xf32>
      %add3A_151 = arith.constant 2 : i32
      %add3A_152 = vector.broadcast %add3A_151 : i32 to vector<16xi32>
      %add3A_153 = arith.addi %mul3A_117, %add3A_152 : vector<16xi32>
      %gather3A_154 = tpu.vector_load_idx %arg11[%add3A_153] : memref<8192xf32, #tpu.memory_space<vmem>>[vector<16xi32>], vector<16xf32>,
      %add3A_155 = arith.constant 2 : i32
      %add3A_156 = vector.broadcast %add3A_155 : i32 to vector<16xi32>
      %add3A_157 = arith.addi %mul3A_124, %add3A_156 : vector<16xi32>
      %gather3A_158 = tpu.vector_load_idx %arg12[%add3A_157] : memref<16384xf32, #tpu.memory_space<vmem>>[vector<16xi32>], vector<16xf32>,
      %sub3A_159 = arith.subf %gather3A_154, %gather3A_158 : vector<16xf32>
      %mul3A_160 = arith.mulf %gather3A_128, %sub3A_159 : vector<16xf32>
      %add3A_161 = arith.addf %add3A_110, %mul3A_160 : vector<16xf32>
      %add3A_162 = arith.constant 2 : i32
      %add3A_163 = vector.broadcast %add3A_162 : i32 to vector<16xi32>
      %add3A_164 = arith.addi %mul3A_54, %add3A_163 : vector<16xi32>
      %gather3A_165 = tpu.vector_load_idx %arg8[%add3A_164] : memref<12288xi32, #tpu.memory_space<vmem>>[vector<16xi32>], vector<16xi32>,
      %mul3A_166 = arith.constant 4 : i32
      %mul3A_167 = vector.broadcast %mul3A_166 : i32 to vector<16xi32>
      %mul3A_168 = arith.muli %gather3A_165, %mul3A_167 : vector<16xi32>
      %add3A_169 = arith.constant 2 : i32
      %add3A_170 = vector.broadcast %add3A_169 : i32 to vector<16xi32>
      %add3A_171 = arith.addi %mul3A_54, %add3A_170 : vector<16xi32>
      %gather3A_172 = tpu.vector_load_idx %arg9[%add3A_171] : memref<12288xi32, #tpu.memory_space<vmem>>[vector<16xi32>], vector<16xi32>,
      %mul3A_173 = arith.constant 4 : i32
      %mul3A_174 = vector.broadcast %mul3A_173 : i32 to vector<16xi32>
      %mul3A_175 = arith.muli %gather3A_172, %mul3A_174 : vector<16xi32>
      %add3A_176 = arith.constant 2 : i32
      %add3A_177 = vector.broadcast %add3A_176 : i32 to vector<16xi32>
      %add3A_178 = arith.addi %mul3A_54, %add3A_177 : vector<16xi32>
      %gather3A_179 = tpu.vector_load_idx %arg10[%add3A_178] : memref<12288xf32, #tpu.memory_space<vmem>>[vector<16xi32>], vector<16xf32>,
      %add3A_180 = arith.constant 0 : i32
      %add3A_181 = vector.broadcast %add3A_180 : i32 to vector<16xi32>
      %add3A_182 = arith.addi %mul3A_168, %add3A_181 : vector<16xi32>
      %gather3A_183 = tpu.vector_load_idx %arg11[%add3A_182] : memref<8192xf32, #tpu.memory_space<vmem>>[vector<16xi32>], vector<16xf32>,
      %add3A_184 = arith.constant 0 : i32
      %add3A_185 = vector.broadcast %add3A_184 : i32 to vector<16xi32>
      %add3A_186 = arith.addi %mul3A_175, %add3A_185 : vector<16xi32>
      %gather3A_187 = tpu.vector_load_idx %arg12[%add3A_186] : memref<16384xf32, #tpu.memory_space<vmem>>[vector<16xi32>], vector<16xf32>,
      %sub3A_188 = arith.subf %gather3A_183, %gather3A_187 : vector<16xf32>
      %mul3A_189 = arith.mulf %gather3A_179, %sub3A_188 : vector<16xf32>
      %add3A_190 = arith.addf %add3A_139, %mul3A_189 : vector<16xf32>
      %add3A_191 = arith.constant 1 : i32
      %add3A_192 = vector.broadcast %add3A_191 : i32 to vector<16xi32>
      %add3A_193 = arith.addi %mul3A_168, %add3A_192 : vector<16xi32>
      %gather3A_194 = tpu.vector_load_idx %arg11[%add3A_193] : memref<8192xf32, #tpu.memory_space<vmem>>[vector<16xi32>], vector<16xf32>,
      %add3A_195 = arith.constant 1 : i32
      %add3A_196 = vector.broadcast %add3A_195 : i32 to vector<16xi32>
      %add3A_197 = arith.addi %mul3A_175, %add3A_196 : vector<16xi32>
      %gather3A_198 = tpu.vector_load_idx %arg12[%add3A_197] : memref<16384xf32, #tpu.memory_space<vmem>>[vector<16xi32>], vector<16xf32>,
      %sub3A_199 = arith.subf %gather3A_194, %gather3A_198 : vector<16xf32>
      %mul3A_200 = arith.mulf %gather3A_179, %sub3A_199 : vector<16xf32>
      %add3A_201 = arith.addf %add3A_150, %mul3A_200 : vector<16xf32>
      %add3A_202 = arith.constant 2 : i32
      %add3A_203 = vector.broadcast %add3A_202 : i32 to vector<16xi32>
      %add3A_204 = arith.addi %mul3A_168, %add3A_203 : vector<16xi32>
      %gather3A_205 = tpu.vector_load_idx %arg11[%add3A_204] : memref<8192xf32, #tpu.memory_space<vmem>>[vector<16xi32>], vector<16xf32>,
      %add3A_206 = arith.constant 2 : i32
      %add3A_207 = vector.broadcast %add3A_206 : i32 to vector<16xi32>
      %add3A_208 = arith.addi %mul3A_175, %add3A_207 : vector<16xi32>
      %gather3A_209 = tpu.vector_load_idx %arg12[%add3A_208] : memref<16384xf32, #tpu.memory_space<vmem>>[vector<16xi32>], vector<16xf32>,
      %sub3A_210 = arith.subf %gather3A_205, %gather3A_209 : vector<16xf32>
      %mul3A_211 = arith.mulf %gather3A_179, %sub3A_210 : vector<16xf32>
      %add3A_212 = arith.addf %add3A_161, %mul3A_211 : vector<16xf32>
      %add3A_213 = arith.constant 3 : i32
      %add3A_214 = vector.broadcast %add3A_213 : i32 to vector<16xi32>
      %add3A_215 = arith.addi %mul3A_54, %add3A_214 : vector<16xi32>
      %gather3A_216 = tpu.vector_load_idx %arg8[%add3A_215] : memref<12288xi32, #tpu.memory_space<vmem>>[vector<16xi32>], vector<16xi32>,
      %mul3A_217 = arith.constant 4 : i32
      %mul3A_218 = vector.broadcast %mul3A_217 : i32 to vector<16xi32>
      %mul3A_219 = arith.muli %gather3A_216, %mul3A_218 : vector<16xi32>
      %add3A_220 = arith.constant 3 : i32
      %add3A_221 = vector.broadcast %add3A_220 : i32 to vector<16xi32>
      %add3A_222 = arith.addi %mul3A_54, %add3A_221 : vector<16xi32>
      %gather3A_223 = tpu.vector_load_idx %arg9[%add3A_222] : memref<12288xi32, #tpu.memory_space<vmem>>[vector<16xi32>], vector<16xi32>,
      %mul3A_224 = arith.constant 4 : i32
      %mul3A_225 = vector.broadcast %mul3A_224 : i32 to vector<16xi32>
      %mul3A_226 = arith.muli %gather3A_223, %mul3A_225 : vector<16xi32>
      %add3A_227 = arith.constant 3 : i32
      %add3A_228 = vector.broadcast %add3A_227 : i32 to vector<16xi32>
      %add3A_229 = arith.addi %mul3A_54, %add3A_228 : vector<16xi32>
      %gather3A_230 = tpu.vector_load_idx %arg10[%add3A_229] : memref<12288xf32, #tpu.memory_space<vmem>>[vector<16xi32>], vector<16xf32>,
      %add3A_231 = arith.constant 0 : i32
      %add3A_232 = vector.broadcast %add3A_231 : i32 to vector<16xi32>
      %add3A_233 = arith.addi %mul3A_219, %add3A_232 : vector<16xi32>
      %gather3A_234 = tpu.vector_load_idx %arg11[%add3A_233] : memref<8192xf32, #tpu.memory_space<vmem>>[vector<16xi32>], vector<16xf32>,
      %add3A_235 = arith.constant 0 : i32
      %add3A_236 = vector.broadcast %add3A_235 : i32 to vector<16xi32>
      %add3A_237 = arith.addi %mul3A_226, %add3A_236 : vector<16xi32>
      %gather3A_238 = tpu.vector_load_idx %arg12[%add3A_237] : memref<16384xf32, #tpu.memory_space<vmem>>[vector<16xi32>], vector<16xf32>,
      %sub3A_239 = arith.subf %gather3A_234, %gather3A_238 : vector<16xf32>
      %mul3A_240 = arith.mulf %gather3A_230, %sub3A_239 : vector<16xf32>
      %add3A_241 = arith.addf %add3A_190, %mul3A_240 : vector<16xf32>
      %add3A_242 = arith.constant 1 : i32
      %add3A_243 = vector.broadcast %add3A_242 : i32 to vector<16xi32>
      %add3A_244 = arith.addi %mul3A_219, %add3A_243 : vector<16xi32>
      %gather3A_245 = tpu.vector_load_idx %arg11[%add3A_244] : memref<8192xf32, #tpu.memory_space<vmem>>[vector<16xi32>], vector<16xf32>,
      %add3A_246 = arith.constant 1 : i32
      %add3A_247 = vector.broadcast %add3A_246 : i32 to vector<16xi32>
      %add3A_248 = arith.addi %mul3A_226, %add3A_247 : vector<16xi32>
      %gather3A_249 = tpu.vector_load_idx %arg12[%add3A_248] : memref<16384xf32, #tpu.memory_space<vmem>>[vector<16xi32>], vector<16xf32>,
      %sub3A_250 = arith.subf %gather3A_245, %gather3A_249 : vector<16xf32>
      %mul3A_251 = arith.mulf %gather3A_230, %sub3A_250 : vector<16xf32>
      %add3A_252 = arith.addf %add3A_201, %mul3A_251 : vector<16xf32>
      %add3A_253 = arith.constant 2 : i32
      %add3A_254 = vector.broadcast %add3A_253 : i32 to vector<16xi32>
      %add3A_255 = arith.addi %mul3A_219, %add3A_254 : vector<16xi32>
      %gather3A_256 = tpu.vector_load_idx %arg11[%add3A_255] : memref<8192xf32, #tpu.memory_space<vmem>>[vector<16xi32>], vector<16xf32>,
      %add3A_257 = arith.constant 2 : i32
      %add3A_258 = vector.broadcast %add3A_257 : i32 to vector<16xi32>
      %add3A_259 = arith.addi %mul3A_226, %add3A_258 : vector<16xi32>
      %gather3A_260 = tpu.vector_load_idx %arg12[%add3A_259] : memref<16384xf32, #tpu.memory_space<vmem>>[vector<16xi32>], vector<16xf32>,
      %sub3A_261 = arith.subf %gather3A_256, %gather3A_260 : vector<16xf32>
      %mul3A_262 = arith.mulf %gather3A_230, %sub3A_261 : vector<16xf32>
      %add3A_263 = arith.addf %add3A_212, %mul3A_262 : vector<16xf32>
      %add3A_264 = arith.constant 4 : i32
      %add3A_265 = vector.broadcast %add3A_264 : i32 to vector<16xi32>
      %add3A_266 = arith.addi %mul3A_54, %add3A_265 : vector<16xi32>
      %gather3A_267 = tpu.vector_load_idx %arg8[%add3A_266] : memref<12288xi32, #tpu.memory_space<vmem>>[vector<16xi32>], vector<16xi32>,
      %mul3A_268 = arith.constant 4 : i32
      %mul3A_269 = vector.broadcast %mul3A_268 : i32 to vector<16xi32>
      %mul3A_270 = arith.muli %gather3A_267, %mul3A_269 : vector<16xi32>
      %add3A_271 = arith.constant 4 : i32
      %add3A_272 = vector.broadcast %add3A_271 : i32 to vector<16xi32>
      %add3A_273 = arith.addi %mul3A_54, %add3A_272 : vector<16xi32>
      %gather3A_274 = tpu.vector_load_idx %arg9[%add3A_273] : memref<12288xi32, #tpu.memory_space<vmem>>[vector<16xi32>], vector<16xi32>,
      %mul3A_275 = arith.constant 4 : i32
      %mul3A_276 = vector.broadcast %mul3A_275 : i32 to vector<16xi32>
      %mul3A_277 = arith.muli %gather3A_274, %mul3A_276 : vector<16xi32>
      %add3A_278 = arith.constant 4 : i32
      %add3A_279 = vector.broadcast %add3A_278 : i32 to vector<16xi32>
      %add3A_280 = arith.addi %mul3A_54, %add3A_279 : vector<16xi32>
      %gather3A_281 = tpu.vector_load_idx %arg10[%add3A_280] : memref<12288xf32, #tpu.memory_space<vmem>>[vector<16xi32>], vector<16xf32>,
      %add3A_282 = arith.constant 0 : i32
      %add3A_283 = vector.broadcast %add3A_282 : i32 to vector<16xi32>
      %add3A_284 = arith.addi %mul3A_270, %add3A_283 : vector<16xi32>
      %gather3A_285 = tpu.vector_load_idx %arg11[%add3A_284] : memref<8192xf32, #tpu.memory_space<vmem>>[vector<16xi32>], vector<16xf32>,
      %add3A_286 = arith.constant 0 : i32
      %add3A_287 = vector.broadcast %add3A_286 : i32 to vector<16xi32>
      %add3A_288 = arith.addi %mul3A_277, %add3A_287 : vector<16xi32>
      %gather3A_289 = tpu.vector_load_idx %arg12[%add3A_288] : memref<16384xf32, #tpu.memory_space<vmem>>[vector<16xi32>], vector<16xf32>,
      %sub3A_290 = arith.subf %gather3A_285, %gather3A_289 : vector<16xf32>
      %mul3A_291 = arith.mulf %gather3A_281, %sub3A_290 : vector<16xf32>
      %add3A_292 = arith.addf %add3A_241, %mul3A_291 : vector<16xf32>
      %add3A_293 = arith.constant 1 : i32
      %add3A_294 = vector.broadcast %add3A_293 : i32 to vector<16xi32>
      %add3A_295 = arith.addi %mul3A_270, %add3A_294 : vector<16xi32>
      %gather3A_296 = tpu.vector_load_idx %arg11[%add3A_295] : memref<8192xf32, #tpu.memory_space<vmem>>[vector<16xi32>], vector<16xf32>,
      %add3A_297 = arith.constant 1 : i32
      %add3A_298 = vector.broadcast %add3A_297 : i32 to vector<16xi32>
      %add3A_299 = arith.addi %mul3A_277, %add3A_298 : vector<16xi32>
      %gather3A_300 = tpu.vector_load_idx %arg12[%add3A_299] : memref<16384xf32, #tpu.memory_space<vmem>>[vector<16xi32>], vector<16xf32>,
      %sub3A_301 = arith.subf %gather3A_296, %gather3A_300 : vector<16xf32>
      %mul3A_302 = arith.mulf %gather3A_281, %sub3A_301 : vector<16xf32>
      %add3A_303 = arith.addf %add3A_252, %mul3A_302 : vector<16xf32>
      %add3A_304 = arith.constant 2 : i32
      %add3A_305 = vector.broadcast %add3A_304 : i32 to vector<16xi32>
      %add3A_306 = arith.addi %mul3A_270, %add3A_305 : vector<16xi32>
      %gather3A_307 = tpu.vector_load_idx %arg11[%add3A_306] : memref<8192xf32, #tpu.memory_space<vmem>>[vector<16xi32>], vector<16xf32>,
      %add3A_308 = arith.constant 2 : i32
      %add3A_309 = vector.broadcast %add3A_308 : i32 to vector<16xi32>
      %add3A_310 = arith.addi %mul3A_277, %add3A_309 : vector<16xi32>
      %gather3A_311 = tpu.vector_load_idx %arg12[%add3A_310] : memref<16384xf32, #tpu.memory_space<vmem>>[vector<16xi32>], vector<16xf32>,
      %sub3A_312 = arith.subf %gather3A_307, %gather3A_311 : vector<16xf32>
      %mul3A_313 = arith.mulf %gather3A_281, %sub3A_312 : vector<16xf32>
      %add3A_314 = arith.addf %add3A_263, %mul3A_313 : vector<16xf32>
      %abs3A = math.absf %add3A_292 : vector<16xf32>
      %add3A_315 = arith.addf %scan3A_47, %abs3A : vector<16xf32>
      %abs3A_316 = math.absf %add3A_303 : vector<16xf32>
      %add3A_317 = arith.addf %add3A_315, %abs3A_316 : vector<16xf32>
      %abs3A_318 = math.absf %add3A_314 : vector<16xf32>
      %add3A_319 = arith.addf %add3A_317, %abs3A_318 : vector<16xf32>
      scf.yield %add3A_319 : vector<16xf32>
    }
    %scan3A_44 = arith.constant 96 : i32
    %swap3A = arith.constant 0 : index
    %swap3A_45 = tpu.vector_load %arg13[%swap3A] {strides = array<i32>} : memref<16xf32, #tpu.memory_space<vmem>>, vector<16xf32>,
    tpu.vector_store %arg13[%swap3A], %scan3A_43 {strides = array<i32>} : memref<16xf32, #tpu.memory_space<vmem>>, vector<16xf32>,
    "tpu.region"() ({
      %run_scoped3A = tpu.sem_alloc : memref<!tpu.dma_semaphore, #tpu.memory_space<semaphore_mem>>
      %dma_start3A = arith.constant 0 : i32
      %dma_start3A_46 = tpu.memref_slice %arg7[%add3A, %dma_start3A] : memref<32x16xf32, #tpu.memory_space<hbm>> -> memref<1x16xf32, #tpu.memory_space<hbm>>
      %dma_start3A_47 = tpu.memref_squeeze %dma_start3A_46 : memref<1x16xf32, #tpu.memory_space<hbm>> -> memref<16xf32, #tpu.memory_space<hbm>>
      %dma_start3A_48 = arith.constant 0 : i32
      %dma_start3A_49 = tpu.memref_slice %arg7[%add3A, %dma_start3A_48] : memref<32x16xf32, #tpu.memory_space<hbm>> -> memref<1x16xf32, #tpu.memory_space<hbm>>
      %dma_start3A_50 = tpu.memref_squeeze %dma_start3A_49 : memref<1x16xf32, #tpu.memory_space<hbm>> -> memref<16xf32, #tpu.memory_space<hbm>>
      tpu.enqueue_dma source(%arg13 : memref<16xf32, #tpu.memory_space<vmem>>) target(%dma_start3A_50 : memref<16xf32, #tpu.memory_space<hbm>>) target_semaphore(%run_scoped3A : memref<!tpu.dma_semaphore, #tpu.memory_space<semaphore_mem>>)
      %dma_wait3A = arith.constant 0 : i32
      %dma_wait3A_51 = tpu.memref_slice %arg7[%add3A, %dma_wait3A] : memref<32x16xf32, #tpu.memory_space<hbm>> -> memref<1x16xf32, #tpu.memory_space<hbm>>
      %dma_wait3A_52 = tpu.memref_squeeze %dma_wait3A_51 : memref<1x16xf32, #tpu.memory_space<hbm>> -> memref<16xf32, #tpu.memory_space<hbm>>
      %dma_wait3A_53 = arith.constant 0 : i32
      %dma_wait3A_54 = tpu.memref_slice %arg7[%add3A, %dma_wait3A_53] : memref<32x16xf32, #tpu.memory_space<hbm>> -> memref<1x16xf32, #tpu.memory_space<hbm>>
      %dma_wait3A_55 = tpu.memref_squeeze %dma_wait3A_54 : memref<1x16xf32, #tpu.memory_space<hbm>> -> memref<16xf32, #tpu.memory_space<hbm>>
      tpu.wait_dma2 semaphore(%run_scoped3A : memref<!tpu.dma_semaphore, #tpu.memory_space<semaphore_mem>>) src(%arg13 : memref<16xf32, #tpu.memory_space<vmem>>) dst(%dma_wait3A_55 : memref<16xf32, #tpu.memory_space<hbm>>)
      tpu.yield
    }) : () -> ()
    return
  }
}

module attributes {stable_mosaic.version = 14 : i64} {
  func.func @_std_kernel(%arg0: i32, %arg1: i32, %arg2: memref<1x256x3xf32, #tpu.memory_space<vmem>>, %arg3: memref<1x2048x3xf32, #tpu.memory_space<vmem>>, %arg4: memref<1x8x256xf32, #tpu.memory_space<vmem>>) attributes {dimension_semantics = [#tpu.dimension_semantics<arbitrary>, #tpu.dimension_semantics<arbitrary>], iteration_bounds = array<i64: 2, 8>, scalar_prefetch = 0 : i64, scratch_operands = 0 : i64, tpu.core_type = #tpu.core_type<tc>, window_params = [{transform_indices = @transform_0, window_bounds = array<i64: 1, 256, 3>}, {transform_indices = @transform_1, window_bounds = array<i64: 1, 2048, 3>}, {transform_indices = @transform_2, window_bounds = array<i64: 1, 8, 256>}]} {
    %get3A = arith.constant 0 : index
    %get3A_0 = arith.constant 0 : index
    %get3A_1 = arith.constant 0 : index
    %get3A_2 = vector.load %arg2[%get3A, %get3A_0, %get3A_1] : memref<1x256x3xf32, #tpu.memory_space<vmem>>, vector<1x256x3xf32>
    %get3A_3 = vector.shape_cast %get3A_2 : vector<1x256x3xf32> to vector<256x3xf32>
    %get3A_4 = arith.constant 0 : index
    %get3A_5 = arith.constant 0 : index
    %get3A_6 = arith.constant 0 : index
    %get3A_7 = vector.load %arg3[%get3A_4, %get3A_5, %get3A_6] : memref<1x2048x3xf32, #tpu.memory_space<vmem>>, vector<1x2048x3xf32>
    %get3A_8 = vector.shape_cast %get3A_7 : vector<1x2048x3xf32> to vector<2048x3xf32>
    %mul3A = arith.mulf %get3A_3, %get3A_3 : vector<256x3xf32>
    %reduce_sum3A = arith.constant dense<0.000000e+00> : vector<256xf32>
    %reduce_sum3A_9 = vector.multi_reduction <add>, %mul3A, %reduce_sum3A [1] : vector<256x3xf32> to vector<256xf32>
    %broadcast_in_dim3A = vector.shape_cast %reduce_sum3A_9 : vector<256xf32> to vector<256x1xf32>
    %mul3A_10 = arith.mulf %get3A_8, %get3A_8 : vector<2048x3xf32>
    %reduce_sum3A_11 = arith.constant dense<0.000000e+00> : vector<2048xf32>
    %reduce_sum3A_12 = vector.multi_reduction <add>, %mul3A_10, %reduce_sum3A_11 [1] : vector<2048x3xf32> to vector<2048xf32>
    %dot_general3A = arith.constant dense<0.000000e+00> : vector<256x2048xf32>
    %dot_general3A_13 = tpu.matmul %get3A_3, %get3A_8, %dot_general3A {dimension_numbers = #tpu.dot_dimension_numbers<[1], [1], [0], [0], [0, 0, 1, 0], [], []>, transpose_lhs_hint = false} : vector<256x3xf32>, vector<2048x3xf32>, vector<256x2048xf32> -> vector<256x2048xf32>
    %broadcast_in_dim3A_14 = vector.shape_cast %reduce_sum3A_12 : vector<2048xf32> to vector<1x2048xf32>
    %add3A = vector.broadcast %broadcast_in_dim3A : vector<256x1xf32> to vector<256x2048xf32>
    %add3A_15 = vector.broadcast %broadcast_in_dim3A_14 : vector<1x2048xf32> to vector<256x2048xf32>
    %add3A_16 = arith.addf %add3A, %add3A_15 : vector<256x2048xf32>
    %mul3A_17 = arith.constant 2.000000e+00 : f32
    %mul3A_18 = vector.broadcast %mul3A_17 : f32 to vector<256x2048xf32>
    %mul3A_19 = arith.mulf %mul3A_18, %dot_general3A_13 : vector<256x2048xf32>
    %sub3A = arith.subf %add3A_16, %mul3A_19 : vector<256x2048xf32>
    %iota3A = tpu.iota {dimensions = array<i32: 1>} : vector<256x2048xi32>
    %reduce_min3A = arith.constant dense<0x7F800000> : vector<256xf32>
    %reduce_min3A_20 = vector.multi_reduction <minimumf>, %sub3A, %reduce_min3A [1] : vector<256x2048xf32> to vector<256xf32>
    %broadcast_in_dim3A_21 = vector.shape_cast %reduce_min3A_20 : vector<256xf32> to vector<256x1xf32>
    %eq3A = vector.broadcast %broadcast_in_dim3A_21 : vector<256x1xf32> to vector<256x2048xf32>
    %eq3A_22 = arith.cmpf oeq, %sub3A, %eq3A : vector<256x2048xf32>
    %jit3A = arith.constant 2048 : i32
    %broadcast_in_dim3A_23 = vector.broadcast %jit3A : i32 to vector<256x2048xi32>
    %select_n3A = arith.select %eq3A_22, %iota3A, %broadcast_in_dim3A_23 : vector<256x2048xi1>, vector<256x2048xi32>
    %reduce_min3A_24 = arith.constant dense<2147483647> : vector<256xi32>
    %reduce_min3A_25 = vector.multi_reduction <minsi>, %select_n3A, %reduce_min3A_24 [1] : vector<256x2048xi32> to vector<256xi32>
    %broadcast_in_dim3A_26 = vector.shape_cast %reduce_min3A_25 : vector<256xi32> to vector<256x1xi32>
    %eq3A_27 = vector.broadcast %broadcast_in_dim3A_26 : vector<256x1xi32> to vector<256x2048xi32>
    %eq3A_28 = arith.cmpi eq, %iota3A, %eq3A_27 : vector<256x2048xi32>
    %jit3A_29 = arith.constant 0x7F800000 : f32
    %broadcast_in_dim3A_30 = vector.broadcast %jit3A_29 : f32 to vector<256x2048xf32>
    %select_n3A_31 = arith.select %eq3A_28, %broadcast_in_dim3A_30, %sub3A : vector<256x2048xi1>, vector<256x2048xf32>
    %reduce_min3A_32 = arith.constant dense<0x7F800000> : vector<256xf32>
    %reduce_min3A_33 = vector.multi_reduction <minimumf>, %select_n3A_31, %reduce_min3A_32 [1] : vector<256x2048xf32> to vector<256xf32>
    %broadcast_in_dim3A_34 = vector.shape_cast %reduce_min3A_33 : vector<256xf32> to vector<256x1xf32>
    %eq3A_35 = vector.broadcast %broadcast_in_dim3A_34 : vector<256x1xf32> to vector<256x2048xf32>
    %eq3A_36 = arith.cmpf oeq, %select_n3A_31, %eq3A_35 : vector<256x2048xf32>
    %jit3A_37 = arith.constant 2048 : i32
    %broadcast_in_dim3A_38 = vector.broadcast %jit3A_37 : i32 to vector<256x2048xi32>
    %select_n3A_39 = arith.select %eq3A_36, %iota3A, %broadcast_in_dim3A_38 : vector<256x2048xi1>, vector<256x2048xi32>
    %reduce_min3A_40 = arith.constant dense<2147483647> : vector<256xi32>
    %reduce_min3A_41 = vector.multi_reduction <minsi>, %select_n3A_39, %reduce_min3A_40 [1] : vector<256x2048xi32> to vector<256xi32>
    %broadcast_in_dim3A_42 = vector.shape_cast %reduce_min3A_41 : vector<256xi32> to vector<256x1xi32>
    %eq3A_43 = vector.broadcast %broadcast_in_dim3A_42 : vector<256x1xi32> to vector<256x2048xi32>
    %eq3A_44 = arith.cmpi eq, %iota3A, %eq3A_43 : vector<256x2048xi32>
    %convert_element_type3A = arith.extui %eq3A_44 : vector<256x2048xi1> to vector<256x2048xi32>
    %convert_element_type3A_45 = arith.sitofp %convert_element_type3A : vector<256x2048xi32> to vector<256x2048xf32>
    %dot_general3A_46 = arith.constant dense<0.000000e+00> : vector<256x3xf32>
    %dot_general3A_47 = tpu.matmul %convert_element_type3A_45, %get3A_8, %dot_general3A_46 {dimension_numbers = #tpu.dot_dimension_numbers<[1], [0], [0], [1], [0, 0, 1, 1], [], []>, transpose_lhs_hint = false} : vector<256x2048xf32>, vector<2048x3xf32>, vector<256x3xf32> -> vector<256x3xf32>
    %sub3A_48 = arith.subf %get3A_3, %dot_general3A_47 : vector<256x3xf32>
    %mul3A_49 = arith.mulf %sub3A_48, %sub3A_48 : vector<256x3xf32>
    %reduce_sum3A_50 = arith.constant dense<0.000000e+00> : vector<256xf32>
    %reduce_sum3A_51 = vector.multi_reduction <add>, %mul3A_49, %reduce_sum3A_50 [1] : vector<256x3xf32> to vector<256xf32>
    %add3A_52 = arith.constant 1.000000e-10 : f32
    %add3A_53 = vector.broadcast %add3A_52 : f32 to vector<256xf32>
    %add3A_54 = arith.addf %reduce_sum3A_51, %add3A_53 : vector<256xf32>
    %sqrt3A = math.sqrt %add3A_54 : vector<256xf32>
    %mul3A_55 = arith.constant 3.000000e+00 : f32
    %mul3A_56 = vector.broadcast %mul3A_55 : f32 to vector<256xf32>
    %mul3A_57 = arith.mulf %sqrt3A, %mul3A_56 : vector<256xf32>
    %broadcast_in_dim3A_58 = vector.shape_cast %mul3A_57 : vector<256xf32> to vector<1x256xf32>
    %broadcast_in_dim3A_59 = vector.shape_cast %broadcast_in_dim3A_58 : vector<1x256xf32> to vector<1x256xf32>
    %broadcast_in_dim3A_60 = vector.broadcast %broadcast_in_dim3A_59 : vector<1x256xf32> to vector<8x256xf32>
    %swap3A = arith.constant 0 : index
    %swap3A_61 = arith.constant 0 : index
    %swap3A_62 = arith.constant 0 : index
    %swap3A_63 = vector.load %arg4[%swap3A, %swap3A_61, %swap3A_62] : memref<1x8x256xf32, #tpu.memory_space<vmem>>, vector<1x8x256xf32>
    %swap3A_64 = vector.shape_cast %swap3A_63 : vector<1x8x256xf32> to vector<8x256xf32>
    %swap3A_65 = vector.shape_cast %broadcast_in_dim3A_60 : vector<8x256xf32> to vector<1x8x256xf32>
    tpu.vector_store %arg4[%swap3A, %swap3A_61, %swap3A_62], %swap3A_65 {strides = array<i32>} : memref<1x8x256xf32, #tpu.memory_space<vmem>>, vector<1x8x256xf32>,
    return
  }
  func.func @transform_0(%arg0: i32, %arg1: i32) -> (i32, i32, i32) {
    %c0_i32 = arith.constant 0 : i32
    %c0_i32_0 = arith.constant 0 : i32
    return %arg0, %arg1, %c0_i32 : i32, i32, i32
  }
  func.func @transform_1(%arg0: i32, %arg1: i32) -> (i32, i32, i32) {
    %c0_i32 = arith.constant 0 : i32
    %c0_i32_0 = arith.constant 0 : i32
    %c0_i32_1 = arith.constant 0 : i32
    return %arg0, %c0_i32, %c0_i32_0 : i32, i32, i32
  }
  func.func @transform_2(%arg0: i32, %arg1: i32) -> (i32, i32, i32) {
    %c0_i32 = arith.constant 0 : i32
    %c0_i32_0 = arith.constant 0 : i32
    return %arg0, %c0_i32, %arg1 : i32, i32, i32
  }
}

module attributes {stable_mosaic.version = 14 : i64} {
  func.func @_geo_kernel(%arg0: i32, %arg1: i32, %arg2: memref<1x1024x3xf32, #tpu.memory_space<vmem>>, %arg3: memref<1x2048x3xf32, #tpu.memory_space<vmem>>, %arg4: memref<1x4096x3xf32, #tpu.memory_space<vmem>>, %arg5: memref<8x128xf32, #tpu.memory_space<vmem>>, %arg6: memref<1x1024x8xi32, #tpu.memory_space<vmem>>, %arg7: memref<1x1024x8xi32, #tpu.memory_space<vmem>>, %arg8: memref<1x1024x8xf32, #tpu.memory_space<vmem>>) attributes {dimension_semantics = [#tpu.dimension_semantics<arbitrary>, #tpu.dimension_semantics<arbitrary>], iteration_bounds = array<i64: 2, 24>, scalar_prefetch = 0 : i64, scratch_operands = 0 : i64, tpu.core_type = #tpu.core_type<tc>, window_params = [{transform_indices = @transform_0, window_bounds = array<i64: 1, 1024, 3>}, {transform_indices = @transform_1, window_bounds = array<i64: 1, 2048, 3>}, {transform_indices = @transform_2, window_bounds = array<i64: 1, 4096, 3>}, {pipeline_mode = #tpu.pipeline_mode<synchronous>, transform_indices = @transform_3, window_bounds = array<i64: 8, 128>}, {transform_indices = @transform_4, window_bounds = array<i64: 1, 1024, 8>}, {transform_indices = @transform_5, window_bounds = array<i64: 1, 1024, 8>}, {transform_indices = @transform_6, window_bounds = array<i64: 1, 1024, 8>}]} {
    %eq3A = arith.constant 0 : i32
    %eq3A_0 = arith.cmpi eq, %arg0, %eq3A : i32
    %eq3A_1 = arith.constant 0 : i32
    %eq3A_2 = arith.cmpi eq, %arg1, %eq3A_1 : i32
    %and3A = arith.andi %eq3A_0, %eq3A_2 : i1
    %convert_element_type3A = arith.extui %and3A : i1 to i32
    %cond3A = arith.constant 0 : i32
    %cond3A_3 = arith.cmpi ne, %convert_element_type3A, %cond3A : i32
    scf.if %cond3A_3 {
      %broadcast_in_dim3A_409 = arith.constant 0.000000e+00 : f32
      %broadcast_in_dim3A_410 = vector.broadcast %broadcast_in_dim3A_409 : f32 to vector<8x128xf32>
      %swap3A_411 = arith.constant 0 : index
      %swap3A_412 = arith.constant 0 : index
      %swap3A_413 = vector.load %arg5[%swap3A_411, %swap3A_412] : memref<8x128xf32, #tpu.memory_space<vmem>>, vector<8x128xf32>
      tpu.vector_store %arg5[%swap3A_411, %swap3A_412], %broadcast_in_dim3A_410 {strides = array<i32>} : memref<8x128xf32, #tpu.memory_space<vmem>>, vector<8x128xf32>,
    } else {
    }
    %get3A = arith.constant 0 : index
    %get3A_4 = arith.constant 0 : index
    %get3A_5 = arith.constant 0 : index
    %get3A_6 = vector.load %arg2[%get3A, %get3A_4, %get3A_5] : memref<1x1024x3xf32, #tpu.memory_space<vmem>>, vector<1x1024x3xf32>
    %get3A_7 = vector.shape_cast %get3A_6 : vector<1x1024x3xf32> to vector<1024x3xf32>
    %get3A_8 = arith.constant 0 : index
    %get3A_9 = arith.constant 0 : index
    %get3A_10 = arith.constant 0 : index
    %get3A_11 = vector.load %arg3[%get3A_8, %get3A_9, %get3A_10] : memref<1x2048x3xf32, #tpu.memory_space<vmem>>, vector<1x2048x3xf32>
    %get3A_12 = vector.shape_cast %get3A_11 : vector<1x2048x3xf32> to vector<2048x3xf32>
    %get3A_13 = arith.constant 0 : index
    %get3A_14 = arith.constant 0 : index
    %get3A_15 = arith.constant 0 : index
    %get3A_16 = vector.load %arg4[%get3A_13, %get3A_14, %get3A_15] : memref<1x4096x3xf32, #tpu.memory_space<vmem>>, vector<1x4096x3xf32>
    %get3A_17 = vector.shape_cast %get3A_16 : vector<1x4096x3xf32> to vector<4096x3xf32>
    %mul3A = arith.mulf %get3A_7, %get3A_7 : vector<1024x3xf32>
    %reduce_sum3A = arith.constant dense<0.000000e+00> : vector<1024xf32>
    %reduce_sum3A_18 = vector.multi_reduction <add>, %mul3A, %reduce_sum3A [1] : vector<1024x3xf32> to vector<1024xf32>
    %broadcast_in_dim3A = vector.shape_cast %reduce_sum3A_18 : vector<1024xf32> to vector<1024x1xf32>
    %mul3A_19 = arith.mulf %get3A_12, %get3A_12 : vector<2048x3xf32>
    %reduce_sum3A_20 = arith.constant dense<0.000000e+00> : vector<2048xf32>
    %reduce_sum3A_21 = vector.multi_reduction <add>, %mul3A_19, %reduce_sum3A_20 [1] : vector<2048x3xf32> to vector<2048xf32>
    %add3A = arith.addf %get3A_12, %get3A_12 : vector<2048x3xf32>
    %dot_general3A = arith.constant dense<0.000000e+00> : vector<1024x2048xf32>
    %dot_general3A_22 = tpu.matmul %get3A_7, %add3A, %dot_general3A {dimension_numbers = #tpu.dot_dimension_numbers<[1], [1], [0], [0], [0, 0, 1, 0], [], []>, transpose_lhs_hint = false} : vector<1024x3xf32>, vector<2048x3xf32>, vector<1024x2048xf32> -> vector<1024x2048xf32>
    %broadcast_in_dim3A_23 = vector.shape_cast %reduce_sum3A_21 : vector<2048xf32> to vector<1x2048xf32>
    %add3A_24 = vector.broadcast %broadcast_in_dim3A : vector<1024x1xf32> to vector<1024x2048xf32>
    %add3A_25 = vector.broadcast %broadcast_in_dim3A_23 : vector<1x2048xf32> to vector<1024x2048xf32>
    %add3A_26 = arith.addf %add3A_24, %add3A_25 : vector<1024x2048xf32>
    %sub3A = arith.subf %add3A_26, %dot_general3A_22 : vector<1024x2048xf32>
    %max3A = arith.constant 1.000000e-35 : f32
    %max3A_27 = vector.broadcast %max3A : f32 to vector<1024x2048xf32>
    %max3A_28 = arith.maximumf %sub3A, %max3A_27 : vector<1024x2048xf32>
    %iota3A = tpu.iota {dimensions = array<i32: 1>} : vector<1024x2048xi32>
    %bitcast_convert_type3A = tpu.bitcast %max3A_28 : vector<1024x2048xf32> -> vector<1024x2048xi32>
    %and3A_29 = arith.constant -4096 : i32
    %and3A_30 = vector.broadcast %and3A_29 : i32 to vector<1024x2048xi32>
    %and3A_31 = arith.andi %bitcast_convert_type3A, %and3A_30 : vector<1024x2048xi32>
    %or3A = arith.ori %and3A_31, %iota3A : vector<1024x2048xi32>
    %bitcast_convert_type3A_32 = tpu.bitcast %or3A : vector<1024x2048xi32> -> vector<1024x2048xf32>
    %reduce_min3A = arith.constant dense<0x7F800000> : vector<1024xf32>
    %reduce_min3A_33 = vector.multi_reduction <minimumf>, %bitcast_convert_type3A_32, %reduce_min3A [1] : vector<1024x2048xf32> to vector<1024xf32>
    %broadcast_in_dim3A_34 = vector.shape_cast %reduce_min3A_33 : vector<1024xf32> to vector<1024x1xf32>
    %gt3A = vector.broadcast %broadcast_in_dim3A_34 : vector<1024x1xf32> to vector<1024x2048xf32>
    %gt3A_35 = arith.cmpf ogt, %bitcast_convert_type3A_32, %gt3A : vector<1024x2048xf32>
    %jit3A = arith.constant 0x7F800000 : f32
    %broadcast_in_dim3A_36 = vector.broadcast %jit3A : f32 to vector<1024x2048xf32>
    %select_n3A = arith.select %gt3A_35, %bitcast_convert_type3A_32, %broadcast_in_dim3A_36 : vector<1024x2048xi1>, vector<1024x2048xf32>
    %reduce_min3A_37 = arith.constant dense<0x7F800000> : vector<1024xf32>
    %reduce_min3A_38 = vector.multi_reduction <minimumf>, %select_n3A, %reduce_min3A_37 [1] : vector<1024x2048xf32> to vector<1024xf32>
    %broadcast_in_dim3A_39 = vector.shape_cast %reduce_min3A_38 : vector<1024xf32> to vector<1024x1xf32>
    %gt3A_40 = vector.broadcast %broadcast_in_dim3A_39 : vector<1024x1xf32> to vector<1024x2048xf32>
    %gt3A_41 = arith.cmpf ogt, %bitcast_convert_type3A_32, %gt3A_40 : vector<1024x2048xf32>
    %jit3A_42 = arith.constant 0x7F800000 : f32
    %broadcast_in_dim3A_43 = vector.broadcast %jit3A_42 : f32 to vector<1024x2048xf32>
    %select_n3A_44 = arith.select %gt3A_41, %bitcast_convert_type3A_32, %broadcast_in_dim3A_43 : vector<1024x2048xi1>, vector<1024x2048xf32>
    %reduce_min3A_45 = arith.constant dense<0x7F800000> : vector<1024xf32>
    %reduce_min3A_46 = vector.multi_reduction <minimumf>, %select_n3A_44, %reduce_min3A_45 [1] : vector<1024x2048xf32> to vector<1024xf32>
    %broadcast_in_dim3A_47 = vector.shape_cast %reduce_min3A_46 : vector<1024xf32> to vector<1024x1xf32>
    %gt3A_48 = vector.broadcast %broadcast_in_dim3A_47 : vector<1024x1xf32> to vector<1024x2048xf32>
    %gt3A_49 = arith.cmpf ogt, %bitcast_convert_type3A_32, %gt3A_48 : vector<1024x2048xf32>
    %jit3A_50 = arith.constant 0x7F800000 : f32
    %broadcast_in_dim3A_51 = vector.broadcast %jit3A_50 : f32 to vector<1024x2048xf32>
    %select_n3A_52 = arith.select %gt3A_49, %bitcast_convert_type3A_32, %broadcast_in_dim3A_51 : vector<1024x2048xi1>, vector<1024x2048xf32>
    %reduce_min3A_53 = arith.constant dense<0x7F800000> : vector<1024xf32>
    %reduce_min3A_54 = vector.multi_reduction <minimumf>, %select_n3A_52, %reduce_min3A_53 [1] : vector<1024x2048xf32> to vector<1024xf32>
    %broadcast_in_dim3A_55 = vector.shape_cast %reduce_min3A_54 : vector<1024xf32> to vector<1024x1xf32>
    %gt3A_56 = vector.broadcast %broadcast_in_dim3A_55 : vector<1024x1xf32> to vector<1024x2048xf32>
    %gt3A_57 = arith.cmpf ogt, %bitcast_convert_type3A_32, %gt3A_56 : vector<1024x2048xf32>
    %jit3A_58 = arith.constant 0x7F800000 : f32
    %broadcast_in_dim3A_59 = vector.broadcast %jit3A_58 : f32 to vector<1024x2048xf32>
    %select_n3A_60 = arith.select %gt3A_57, %bitcast_convert_type3A_32, %broadcast_in_dim3A_59 : vector<1024x2048xi1>, vector<1024x2048xf32>
    %reduce_min3A_61 = arith.constant dense<0x7F800000> : vector<1024xf32>
    %reduce_min3A_62 = vector.multi_reduction <minimumf>, %select_n3A_60, %reduce_min3A_61 [1] : vector<1024x2048xf32> to vector<1024xf32>
    %broadcast_in_dim3A_63 = vector.shape_cast %reduce_min3A_62 : vector<1024xf32> to vector<1024x1xf32>
    %bitcast_convert_type3A_64 = tpu.bitcast %broadcast_in_dim3A_34 : vector<1024x1xf32> -> vector<1024x1xi32>
    %and3A_65 = arith.constant -4096 : i32
    %and3A_66 = vector.broadcast %and3A_65 : i32 to vector<1024x1xi32>
    %and3A_67 = arith.andi %bitcast_convert_type3A_64, %and3A_66 : vector<1024x1xi32>
    %bitcast_convert_type3A_68 = tpu.bitcast %and3A_67 : vector<1024x1xi32> -> vector<1024x1xf32>
    %bitcast_convert_type3A_69 = tpu.bitcast %broadcast_in_dim3A_39 : vector<1024x1xf32> -> vector<1024x1xi32>
    %and3A_70 = arith.constant -4096 : i32
    %and3A_71 = vector.broadcast %and3A_70 : i32 to vector<1024x1xi32>
    %and3A_72 = arith.andi %bitcast_convert_type3A_69, %and3A_71 : vector<1024x1xi32>
    %bitcast_convert_type3A_73 = tpu.bitcast %and3A_72 : vector<1024x1xi32> -> vector<1024x1xf32>
    %bitcast_convert_type3A_74 = tpu.bitcast %broadcast_in_dim3A_47 : vector<1024x1xf32> -> vector<1024x1xi32>
    %and3A_75 = arith.constant -4096 : i32
    %and3A_76 = vector.broadcast %and3A_75 : i32 to vector<1024x1xi32>
    %and3A_77 = arith.andi %bitcast_convert_type3A_74, %and3A_76 : vector<1024x1xi32>
    %bitcast_convert_type3A_78 = tpu.bitcast %and3A_77 : vector<1024x1xi32> -> vector<1024x1xf32>
    %bitcast_convert_type3A_79 = tpu.bitcast %broadcast_in_dim3A_55 : vector<1024x1xf32> -> vector<1024x1xi32>
    %and3A_80 = arith.constant -4096 : i32
    %and3A_81 = vector.broadcast %and3A_80 : i32 to vector<1024x1xi32>
    %and3A_82 = arith.andi %bitcast_convert_type3A_79, %and3A_81 : vector<1024x1xi32>
    %bitcast_convert_type3A_83 = tpu.bitcast %and3A_82 : vector<1024x1xi32> -> vector<1024x1xf32>
    %bitcast_convert_type3A_84 = tpu.bitcast %broadcast_in_dim3A_63 : vector<1024x1xf32> -> vector<1024x1xi32>
    %and3A_85 = arith.constant -4096 : i32
    %and3A_86 = vector.broadcast %and3A_85 : i32 to vector<1024x1xi32>
    %and3A_87 = arith.andi %bitcast_convert_type3A_84, %and3A_86 : vector<1024x1xi32>
    %bitcast_convert_type3A_88 = tpu.bitcast %and3A_87 : vector<1024x1xi32> -> vector<1024x1xf32>
    %sub3A_89 = arith.subf %bitcast_convert_type3A_68, %bitcast_convert_type3A_68 : vector<1024x1xf32>
    %exp3A = math.exp %sub3A_89 : vector<1024x1xf32>
    %sub3A_90 = arith.subf %bitcast_convert_type3A_68, %bitcast_convert_type3A_73 : vector<1024x1xf32>
    %exp3A_91 = math.exp %sub3A_90 : vector<1024x1xf32>
    %sub3A_92 = arith.subf %bitcast_convert_type3A_68, %bitcast_convert_type3A_78 : vector<1024x1xf32>
    %exp3A_93 = math.exp %sub3A_92 : vector<1024x1xf32>
    %sub3A_94 = arith.subf %bitcast_convert_type3A_68, %bitcast_convert_type3A_83 : vector<1024x1xf32>
    %exp3A_95 = math.exp %sub3A_94 : vector<1024x1xf32>
    %sub3A_96 = arith.subf %bitcast_convert_type3A_68, %bitcast_convert_type3A_88 : vector<1024x1xf32>
    %exp3A_97 = math.exp %sub3A_96 : vector<1024x1xf32>
    %broadcast_in_dim3A_98 = arith.constant 0.000000e+00 : f32
    %broadcast_in_dim3A_99 = vector.broadcast %broadcast_in_dim3A_98 : f32 to vector<1024x1xf32>
    %add3A_100 = arith.constant 1.000000e-10 : f32
    %add3A_101 = vector.broadcast %add3A_100 : f32 to vector<1024x1xf32>
    %add3A_102 = arith.addf %bitcast_convert_type3A_68, %add3A_101 : vector<1024x1xf32>
    %sqrt3A = math.sqrt %add3A_102 : vector<1024x1xf32>
    %mul3A_103 = arith.mulf %sqrt3A, %exp3A : vector<1024x1xf32>
    %add3A_104 = arith.addf %broadcast_in_dim3A_99, %mul3A_103 : vector<1024x1xf32>
    %add3A_105 = arith.constant 1.000000e-10 : f32
    %add3A_106 = vector.broadcast %add3A_105 : f32 to vector<1024x1xf32>
    %add3A_107 = arith.addf %bitcast_convert_type3A_73, %add3A_106 : vector<1024x1xf32>
    %sqrt3A_108 = math.sqrt %add3A_107 : vector<1024x1xf32>
    %mul3A_109 = arith.mulf %sqrt3A_108, %exp3A_91 : vector<1024x1xf32>
    %add3A_110 = arith.addf %add3A_104, %mul3A_109 : vector<1024x1xf32>
    %add3A_111 = arith.constant 1.000000e-10 : f32
    %add3A_112 = vector.broadcast %add3A_111 : f32 to vector<1024x1xf32>
    %add3A_113 = arith.addf %bitcast_convert_type3A_78, %add3A_112 : vector<1024x1xf32>
    %sqrt3A_114 = math.sqrt %add3A_113 : vector<1024x1xf32>
    %mul3A_115 = arith.mulf %sqrt3A_114, %exp3A_93 : vector<1024x1xf32>
    %add3A_116 = arith.addf %add3A_110, %mul3A_115 : vector<1024x1xf32>
    %add3A_117 = arith.constant 1.000000e-10 : f32
    %add3A_118 = vector.broadcast %add3A_117 : f32 to vector<1024x1xf32>
    %add3A_119 = arith.addf %bitcast_convert_type3A_83, %add3A_118 : vector<1024x1xf32>
    %sqrt3A_120 = math.sqrt %add3A_119 : vector<1024x1xf32>
    %mul3A_121 = arith.mulf %sqrt3A_120, %exp3A_95 : vector<1024x1xf32>
    %add3A_122 = arith.addf %add3A_116, %mul3A_121 : vector<1024x1xf32>
    %add3A_123 = arith.constant 1.000000e-10 : f32
    %add3A_124 = vector.broadcast %add3A_123 : f32 to vector<1024x1xf32>
    %add3A_125 = arith.addf %bitcast_convert_type3A_88, %add3A_124 : vector<1024x1xf32>
    %sqrt3A_126 = math.sqrt %add3A_125 : vector<1024x1xf32>
    %mul3A_127 = arith.mulf %sqrt3A_126, %exp3A_97 : vector<1024x1xf32>
    %add3A_128 = arith.addf %add3A_122, %mul3A_127 : vector<1024x1xf32>
    %add3A_129 = arith.addf %exp3A, %exp3A_91 : vector<1024x1xf32>
    %add3A_130 = arith.addf %add3A_129, %exp3A_93 : vector<1024x1xf32>
    %add3A_131 = arith.addf %add3A_130, %exp3A_95 : vector<1024x1xf32>
    %add3A_132 = arith.addf %add3A_131, %exp3A_97 : vector<1024x1xf32>
    %div3A = arith.constant 1.000000e+00 : f32
    %div3A_133 = vector.broadcast %div3A : f32 to vector<1024x1xf32>
    %div3A_134 = arith.divf %div3A_133, %add3A_132 : vector<1024x1xf32>
    %mul3A_135 = arith.mulf %get3A_17, %get3A_17 : vector<4096x3xf32>
    %reduce_sum3A_136 = arith.constant dense<0.000000e+00> : vector<4096xf32>
    %reduce_sum3A_137 = vector.multi_reduction <add>, %mul3A_135, %reduce_sum3A_136 [1] : vector<4096x3xf32> to vector<4096xf32>
    %add3A_138 = arith.addf %get3A_17, %get3A_17 : vector<4096x3xf32>
    %dot_general3A_139 = arith.constant dense<0.000000e+00> : vector<1024x4096xf32>
    %dot_general3A_140 = tpu.matmul %get3A_7, %add3A_138, %dot_general3A_139 {dimension_numbers = #tpu.dot_dimension_numbers<[1], [1], [0], [0], [0, 0, 1, 0], [], []>, transpose_lhs_hint = false} : vector<1024x3xf32>, vector<4096x3xf32>, vector<1024x4096xf32> -> vector<1024x4096xf32>
    %broadcast_in_dim3A_141 = vector.shape_cast %reduce_sum3A_137 : vector<4096xf32> to vector<1x4096xf32>
    %add3A_142 = vector.broadcast %broadcast_in_dim3A : vector<1024x1xf32> to vector<1024x4096xf32>
    %add3A_143 = vector.broadcast %broadcast_in_dim3A_141 : vector<1x4096xf32> to vector<1024x4096xf32>
    %add3A_144 = arith.addf %add3A_142, %add3A_143 : vector<1024x4096xf32>
    %sub3A_145 = arith.subf %add3A_144, %dot_general3A_140 : vector<1024x4096xf32>
    %max3A_146 = arith.constant 1.000000e-35 : f32
    %max3A_147 = vector.broadcast %max3A_146 : f32 to vector<1024x4096xf32>
    %max3A_148 = arith.maximumf %sub3A_145, %max3A_147 : vector<1024x4096xf32>
    %iota3A_149 = tpu.iota {dimensions = array<i32: 1>} : vector<1024x4096xi32>
    %bitcast_convert_type3A_150 = tpu.bitcast %max3A_148 : vector<1024x4096xf32> -> vector<1024x4096xi32>
    %and3A_151 = arith.constant -4096 : i32
    %and3A_152 = vector.broadcast %and3A_151 : i32 to vector<1024x4096xi32>
    %and3A_153 = arith.andi %bitcast_convert_type3A_150, %and3A_152 : vector<1024x4096xi32>
    %or3A_154 = arith.ori %and3A_153, %iota3A_149 : vector<1024x4096xi32>
    %bitcast_convert_type3A_155 = tpu.bitcast %or3A_154 : vector<1024x4096xi32> -> vector<1024x4096xf32>
    %reduce_min3A_156 = arith.constant dense<0x7F800000> : vector<1024xf32>
    %reduce_min3A_157 = vector.multi_reduction <minimumf>, %bitcast_convert_type3A_155, %reduce_min3A_156 [1] : vector<1024x4096xf32> to vector<1024xf32>
    %broadcast_in_dim3A_158 = vector.shape_cast %reduce_min3A_157 : vector<1024xf32> to vector<1024x1xf32>
    %gt3A_159 = vector.broadcast %broadcast_in_dim3A_158 : vector<1024x1xf32> to vector<1024x4096xf32>
    %gt3A_160 = arith.cmpf ogt, %bitcast_convert_type3A_155, %gt3A_159 : vector<1024x4096xf32>
    %jit3A_161 = arith.constant 0x7F800000 : f32
    %broadcast_in_dim3A_162 = vector.broadcast %jit3A_161 : f32 to vector<1024x4096xf32>
    %select_n3A_163 = arith.select %gt3A_160, %bitcast_convert_type3A_155, %broadcast_in_dim3A_162 : vector<1024x4096xi1>, vector<1024x4096xf32>
    %reduce_min3A_164 = arith.constant dense<0x7F800000> : vector<1024xf32>
    %reduce_min3A_165 = vector.multi_reduction <minimumf>, %select_n3A_163, %reduce_min3A_164 [1] : vector<1024x4096xf32> to vector<1024xf32>
    %broadcast_in_dim3A_166 = vector.shape_cast %reduce_min3A_165 : vector<1024xf32> to vector<1024x1xf32>
    %gt3A_167 = vector.broadcast %broadcast_in_dim3A_166 : vector<1024x1xf32> to vector<1024x4096xf32>
    %gt3A_168 = arith.cmpf ogt, %bitcast_convert_type3A_155, %gt3A_167 : vector<1024x4096xf32>
    %jit3A_169 = arith.constant 0x7F800000 : f32
    %broadcast_in_dim3A_170 = vector.broadcast %jit3A_169 : f32 to vector<1024x4096xf32>
    %select_n3A_171 = arith.select %gt3A_168, %bitcast_convert_type3A_155, %broadcast_in_dim3A_170 : vector<1024x4096xi1>, vector<1024x4096xf32>
    %reduce_min3A_172 = arith.constant dense<0x7F800000> : vector<1024xf32>
    %reduce_min3A_173 = vector.multi_reduction <minimumf>, %select_n3A_171, %reduce_min3A_172 [1] : vector<1024x4096xf32> to vector<1024xf32>
    %broadcast_in_dim3A_174 = vector.shape_cast %reduce_min3A_173 : vector<1024xf32> to vector<1024x1xf32>
    %gt3A_175 = vector.broadcast %broadcast_in_dim3A_174 : vector<1024x1xf32> to vector<1024x4096xf32>
    %gt3A_176 = arith.cmpf ogt, %bitcast_convert_type3A_155, %gt3A_175 : vector<1024x4096xf32>
    %jit3A_177 = arith.constant 0x7F800000 : f32
    %broadcast_in_dim3A_178 = vector.broadcast %jit3A_177 : f32 to vector<1024x4096xf32>
    %select_n3A_179 = arith.select %gt3A_176, %bitcast_convert_type3A_155, %broadcast_in_dim3A_178 : vector<1024x4096xi1>, vector<1024x4096xf32>
    %reduce_min3A_180 = arith.constant dense<0x7F800000> : vector<1024xf32>
    %reduce_min3A_181 = vector.multi_reduction <minimumf>, %select_n3A_179, %reduce_min3A_180 [1] : vector<1024x4096xf32> to vector<1024xf32>
    %broadcast_in_dim3A_182 = vector.shape_cast %reduce_min3A_181 : vector<1024xf32> to vector<1024x1xf32>
    %gt3A_183 = vector.broadcast %broadcast_in_dim3A_182 : vector<1024x1xf32> to vector<1024x4096xf32>
    %gt3A_184 = arith.cmpf ogt, %bitcast_convert_type3A_155, %gt3A_183 : vector<1024x4096xf32>
    %jit3A_185 = arith.constant 0x7F800000 : f32
    %broadcast_in_dim3A_186 = vector.broadcast %jit3A_185 : f32 to vector<1024x4096xf32>
    %select_n3A_187 = arith.select %gt3A_184, %bitcast_convert_type3A_155, %broadcast_in_dim3A_186 : vector<1024x4096xi1>, vector<1024x4096xf32>
    %reduce_min3A_188 = arith.constant dense<0x7F800000> : vector<1024xf32>
    %reduce_min3A_189 = vector.multi_reduction <minimumf>, %select_n3A_187, %reduce_min3A_188 [1] : vector<1024x4096xf32> to vector<1024xf32>
    %broadcast_in_dim3A_190 = vector.shape_cast %reduce_min3A_189 : vector<1024xf32> to vector<1024x1xf32>
    %broadcast_in_dim3A_191 = arith.constant 0.000000e+00 : f32
    %broadcast_in_dim3A_192 = vector.broadcast %broadcast_in_dim3A_191 : f32 to vector<1024x1xf32>
    %bitcast_convert_type3A_193 = tpu.bitcast %broadcast_in_dim3A_158 : vector<1024x1xf32> -> vector<1024x1xi32>
    %and3A_194 = arith.constant -4096 : i32
    %and3A_195 = vector.broadcast %and3A_194 : i32 to vector<1024x1xi32>
    %and3A_196 = arith.andi %bitcast_convert_type3A_193, %and3A_195 : vector<1024x1xi32>
    %bitcast_convert_type3A_197 = tpu.bitcast %and3A_196 : vector<1024x1xi32> -> vector<1024x1xf32>
    %add3A_198 = arith.constant 1.000000e-10 : f32
    %add3A_199 = vector.broadcast %add3A_198 : f32 to vector<1024x1xf32>
    %add3A_200 = arith.addf %bitcast_convert_type3A_197, %add3A_199 : vector<1024x1xf32>
    %sqrt3A_201 = math.sqrt %add3A_200 : vector<1024x1xf32>
    %mul3A_202 = arith.mulf %sqrt3A_201, %exp3A : vector<1024x1xf32>
    %add3A_203 = arith.addf %broadcast_in_dim3A_192, %mul3A_202 : vector<1024x1xf32>
    %bitcast_convert_type3A_204 = tpu.bitcast %broadcast_in_dim3A_166 : vector<1024x1xf32> -> vector<1024x1xi32>
    %and3A_205 = arith.constant -4096 : i32
    %and3A_206 = vector.broadcast %and3A_205 : i32 to vector<1024x1xi32>
    %and3A_207 = arith.andi %bitcast_convert_type3A_204, %and3A_206 : vector<1024x1xi32>
    %bitcast_convert_type3A_208 = tpu.bitcast %and3A_207 : vector<1024x1xi32> -> vector<1024x1xf32>
    %add3A_209 = arith.constant 1.000000e-10 : f32
    %add3A_210 = vector.broadcast %add3A_209 : f32 to vector<1024x1xf32>
    %add3A_211 = arith.addf %bitcast_convert_type3A_208, %add3A_210 : vector<1024x1xf32>
    %sqrt3A_212 = math.sqrt %add3A_211 : vector<1024x1xf32>
    %mul3A_213 = arith.mulf %sqrt3A_212, %exp3A_91 : vector<1024x1xf32>
    %add3A_214 = arith.addf %add3A_203, %mul3A_213 : vector<1024x1xf32>
    %bitcast_convert_type3A_215 = tpu.bitcast %broadcast_in_dim3A_174 : vector<1024x1xf32> -> vector<1024x1xi32>
    %and3A_216 = arith.constant -4096 : i32
    %and3A_217 = vector.broadcast %and3A_216 : i32 to vector<1024x1xi32>
    %and3A_218 = arith.andi %bitcast_convert_type3A_215, %and3A_217 : vector<1024x1xi32>
    %bitcast_convert_type3A_219 = tpu.bitcast %and3A_218 : vector<1024x1xi32> -> vector<1024x1xf32>
    %add3A_220 = arith.constant 1.000000e-10 : f32
    %add3A_221 = vector.broadcast %add3A_220 : f32 to vector<1024x1xf32>
    %add3A_222 = arith.addf %bitcast_convert_type3A_219, %add3A_221 : vector<1024x1xf32>
    %sqrt3A_223 = math.sqrt %add3A_222 : vector<1024x1xf32>
    %mul3A_224 = arith.mulf %sqrt3A_223, %exp3A_93 : vector<1024x1xf32>
    %add3A_225 = arith.addf %add3A_214, %mul3A_224 : vector<1024x1xf32>
    %bitcast_convert_type3A_226 = tpu.bitcast %broadcast_in_dim3A_182 : vector<1024x1xf32> -> vector<1024x1xi32>
    %and3A_227 = arith.constant -4096 : i32
    %and3A_228 = vector.broadcast %and3A_227 : i32 to vector<1024x1xi32>
    %and3A_229 = arith.andi %bitcast_convert_type3A_226, %and3A_228 : vector<1024x1xi32>
    %bitcast_convert_type3A_230 = tpu.bitcast %and3A_229 : vector<1024x1xi32> -> vector<1024x1xf32>
    %add3A_231 = arith.constant 1.000000e-10 : f32
    %add3A_232 = vector.broadcast %add3A_231 : f32 to vector<1024x1xf32>
    %add3A_233 = arith.addf %bitcast_convert_type3A_230, %add3A_232 : vector<1024x1xf32>
    %sqrt3A_234 = math.sqrt %add3A_233 : vector<1024x1xf32>
    %mul3A_235 = arith.mulf %sqrt3A_234, %exp3A_95 : vector<1024x1xf32>
    %add3A_236 = arith.addf %add3A_225, %mul3A_235 : vector<1024x1xf32>
    %bitcast_convert_type3A_237 = tpu.bitcast %broadcast_in_dim3A_190 : vector<1024x1xf32> -> vector<1024x1xi32>
    %and3A_238 = arith.constant -4096 : i32
    %and3A_239 = vector.broadcast %and3A_238 : i32 to vector<1024x1xi32>
    %and3A_240 = arith.andi %bitcast_convert_type3A_237, %and3A_239 : vector<1024x1xi32>
    %bitcast_convert_type3A_241 = tpu.bitcast %and3A_240 : vector<1024x1xi32> -> vector<1024x1xf32>
    %add3A_242 = arith.constant 1.000000e-10 : f32
    %add3A_243 = vector.broadcast %add3A_242 : f32 to vector<1024x1xf32>
    %add3A_244 = arith.addf %bitcast_convert_type3A_241, %add3A_243 : vector<1024x1xf32>
    %sqrt3A_245 = math.sqrt %add3A_244 : vector<1024x1xf32>
    %mul3A_246 = arith.mulf %sqrt3A_245, %exp3A_97 : vector<1024x1xf32>
    %add3A_247 = arith.addf %add3A_236, %mul3A_246 : vector<1024x1xf32>
    %bitcast_convert_type3A_248 = tpu.bitcast %broadcast_in_dim3A_34 : vector<1024x1xf32> -> vector<1024x1xi32>
    %and3A_249 = arith.constant 4095 : i32
    %and3A_250 = vector.broadcast %and3A_249 : i32 to vector<1024x1xi32>
    %and3A_251 = arith.andi %bitcast_convert_type3A_248, %and3A_250 : vector<1024x1xi32>
    %swap3A = arith.constant 0 : index
    %swap3A_252 = arith.constant 0 : index
    %swap3A_253 = arith.constant 0 : index
    %swap3A_254 = vector.load %arg6[%swap3A, %swap3A_252, %swap3A_253] : memref<1x1024x8xi32, #tpu.memory_space<vmem>>, vector<1x1024x1xi32>
    %swap3A_255 = vector.shape_cast %swap3A_254 : vector<1x1024x1xi32> to vector<1024x1xi32>
    %swap3A_256 = vector.shape_cast %and3A_251 : vector<1024x1xi32> to vector<1x1024x1xi32>
    tpu.vector_store %arg6[%swap3A, %swap3A_252, %swap3A_253], %swap3A_256 {strides = array<i32>} : memref<1x1024x8xi32, #tpu.memory_space<vmem>>, vector<1x1024x1xi32>,
    %bitcast_convert_type3A_257 = tpu.bitcast %broadcast_in_dim3A_158 : vector<1024x1xf32> -> vector<1024x1xi32>
    %and3A_258 = arith.constant 4095 : i32
    %and3A_259 = vector.broadcast %and3A_258 : i32 to vector<1024x1xi32>
    %and3A_260 = arith.andi %bitcast_convert_type3A_257, %and3A_259 : vector<1024x1xi32>
    %swap3A_261 = arith.constant 0 : index
    %swap3A_262 = arith.constant 0 : index
    %swap3A_263 = arith.constant 0 : index
    %swap3A_264 = vector.load %arg7[%swap3A_261, %swap3A_262, %swap3A_263] : memref<1x1024x8xi32, #tpu.memory_space<vmem>>, vector<1x1024x1xi32>
    %swap3A_265 = vector.shape_cast %swap3A_264 : vector<1x1024x1xi32> to vector<1024x1xi32>
    %swap3A_266 = vector.shape_cast %and3A_260 : vector<1024x1xi32> to vector<1x1024x1xi32>
    tpu.vector_store %arg7[%swap3A_261, %swap3A_262, %swap3A_263], %swap3A_266 {strides = array<i32>} : memref<1x1024x8xi32, #tpu.memory_space<vmem>>, vector<1x1024x1xi32>,
    %mul3A_267 = arith.mulf %exp3A, %div3A_134 : vector<1024x1xf32>
    %swap3A_268 = arith.constant 0 : index
    %swap3A_269 = arith.constant 0 : index
    %swap3A_270 = arith.constant 0 : index
    %swap3A_271 = vector.load %arg8[%swap3A_268, %swap3A_269, %swap3A_270] : memref<1x1024x8xf32, #tpu.memory_space<vmem>>, vector<1x1024x1xf32>
    %swap3A_272 = vector.shape_cast %swap3A_271 : vector<1x1024x1xf32> to vector<1024x1xf32>
    %swap3A_273 = vector.shape_cast %mul3A_267 : vector<1024x1xf32> to vector<1x1024x1xf32>
    tpu.vector_store %arg8[%swap3A_268, %swap3A_269, %swap3A_270], %swap3A_273 {strides = array<i32>} : memref<1x1024x8xf32, #tpu.memory_space<vmem>>, vector<1x1024x1xf32>,
    %bitcast_convert_type3A_274 = tpu.bitcast %broadcast_in_dim3A_39 : vector<1024x1xf32> -> vector<1024x1xi32>
    %and3A_275 = arith.constant 4095 : i32
    %and3A_276 = vector.broadcast %and3A_275 : i32 to vector<1024x1xi32>
    %and3A_277 = arith.andi %bitcast_convert_type3A_274, %and3A_276 : vector<1024x1xi32>
    %swap3A_278 = arith.constant 0 : index
    %swap3A_279 = arith.constant 0 : index
    %swap3A_280 = arith.constant 1 : index
    %swap3A_281 = vector.load %arg6[%swap3A_278, %swap3A_279, %swap3A_280] : memref<1x1024x8xi32, #tpu.memory_space<vmem>>, vector<1x1024x1xi32>
    %swap3A_282 = vector.shape_cast %swap3A_281 : vector<1x1024x1xi32> to vector<1024x1xi32>
    %swap3A_283 = vector.shape_cast %and3A_277 : vector<1024x1xi32> to vector<1x1024x1xi32>
    tpu.vector_store %arg6[%swap3A_278, %swap3A_279, %swap3A_280], %swap3A_283 {strides = array<i32>} : memref<1x1024x8xi32, #tpu.memory_space<vmem>>, vector<1x1024x1xi32>,
    %bitcast_convert_type3A_284 = tpu.bitcast %broadcast_in_dim3A_166 : vector<1024x1xf32> -> vector<1024x1xi32>
    %and3A_285 = arith.constant 4095 : i32
    %and3A_286 = vector.broadcast %and3A_285 : i32 to vector<1024x1xi32>
    %and3A_287 = arith.andi %bitcast_convert_type3A_284, %and3A_286 : vector<1024x1xi32>
    %swap3A_288 = arith.constant 0 : index
    %swap3A_289 = arith.constant 0 : index
    %swap3A_290 = arith.constant 1 : index
    %swap3A_291 = vector.load %arg7[%swap3A_288, %swap3A_289, %swap3A_290] : memref<1x1024x8xi32, #tpu.memory_space<vmem>>, vector<1x1024x1xi32>
    %swap3A_292 = vector.shape_cast %swap3A_291 : vector<1x1024x1xi32> to vector<1024x1xi32>
    %swap3A_293 = vector.shape_cast %and3A_287 : vector<1024x1xi32> to vector<1x1024x1xi32>
    tpu.vector_store %arg7[%swap3A_288, %swap3A_289, %swap3A_290], %swap3A_293 {strides = array<i32>} : memref<1x1024x8xi32, #tpu.memory_space<vmem>>, vector<1x1024x1xi32>,
    %mul3A_294 = arith.mulf %exp3A_91, %div3A_134 : vector<1024x1xf32>
    %swap3A_295 = arith.constant 0 : index
    %swap3A_296 = arith.constant 0 : index
    %swap3A_297 = arith.constant 1 : index
    %swap3A_298 = vector.load %arg8[%swap3A_295, %swap3A_296, %swap3A_297] : memref<1x1024x8xf32, #tpu.memory_space<vmem>>, vector<1x1024x1xf32>
    %swap3A_299 = vector.shape_cast %swap3A_298 : vector<1x1024x1xf32> to vector<1024x1xf32>
    %swap3A_300 = vector.shape_cast %mul3A_294 : vector<1024x1xf32> to vector<1x1024x1xf32>
    tpu.vector_store %arg8[%swap3A_295, %swap3A_296, %swap3A_297], %swap3A_300 {strides = array<i32>} : memref<1x1024x8xf32, #tpu.memory_space<vmem>>, vector<1x1024x1xf32>,
    %bitcast_convert_type3A_301 = tpu.bitcast %broadcast_in_dim3A_47 : vector<1024x1xf32> -> vector<1024x1xi32>
    %and3A_302 = arith.constant 4095 : i32
    %and3A_303 = vector.broadcast %and3A_302 : i32 to vector<1024x1xi32>
    %and3A_304 = arith.andi %bitcast_convert_type3A_301, %and3A_303 : vector<1024x1xi32>
    %swap3A_305 = arith.constant 0 : index
    %swap3A_306 = arith.constant 0 : index
    %swap3A_307 = arith.constant 2 : index
    %swap3A_308 = vector.load %arg6[%swap3A_305, %swap3A_306, %swap3A_307] : memref<1x1024x8xi32, #tpu.memory_space<vmem>>, vector<1x1024x1xi32>
    %swap3A_309 = vector.shape_cast %swap3A_308 : vector<1x1024x1xi32> to vector<1024x1xi32>
    %swap3A_310 = vector.shape_cast %and3A_304 : vector<1024x1xi32> to vector<1x1024x1xi32>
    tpu.vector_store %arg6[%swap3A_305, %swap3A_306, %swap3A_307], %swap3A_310 {strides = array<i32>} : memref<1x1024x8xi32, #tpu.memory_space<vmem>>, vector<1x1024x1xi32>,
    %bitcast_convert_type3A_311 = tpu.bitcast %broadcast_in_dim3A_174 : vector<1024x1xf32> -> vector<1024x1xi32>
    %and3A_312 = arith.constant 4095 : i32
    %and3A_313 = vector.broadcast %and3A_312 : i32 to vector<1024x1xi32>
    %and3A_314 = arith.andi %bitcast_convert_type3A_311, %and3A_313 : vector<1024x1xi32>
    %swap3A_315 = arith.constant 0 : index
    %swap3A_316 = arith.constant 0 : index
    %swap3A_317 = arith.constant 2 : index
    %swap3A_318 = vector.load %arg7[%swap3A_315, %swap3A_316, %swap3A_317] : memref<1x1024x8xi32, #tpu.memory_space<vmem>>, vector<1x1024x1xi32>
    %swap3A_319 = vector.shape_cast %swap3A_318 : vector<1x1024x1xi32> to vector<1024x1xi32>
    %swap3A_320 = vector.shape_cast %and3A_314 : vector<1024x1xi32> to vector<1x1024x1xi32>
    tpu.vector_store %arg7[%swap3A_315, %swap3A_316, %swap3A_317], %swap3A_320 {strides = array<i32>} : memref<1x1024x8xi32, #tpu.memory_space<vmem>>, vector<1x1024x1xi32>,
    %mul3A_321 = arith.mulf %exp3A_93, %div3A_134 : vector<1024x1xf32>
    %swap3A_322 = arith.constant 0 : index
    %swap3A_323 = arith.constant 0 : index
    %swap3A_324 = arith.constant 2 : index
    %swap3A_325 = vector.load %arg8[%swap3A_322, %swap3A_323, %swap3A_324] : memref<1x1024x8xf32, #tpu.memory_space<vmem>>, vector<1x1024x1xf32>
    %swap3A_326 = vector.shape_cast %swap3A_325 : vector<1x1024x1xf32> to vector<1024x1xf32>
    %swap3A_327 = vector.shape_cast %mul3A_321 : vector<1024x1xf32> to vector<1x1024x1xf32>
    tpu.vector_store %arg8[%swap3A_322, %swap3A_323, %swap3A_324], %swap3A_327 {strides = array<i32>} : memref<1x1024x8xf32, #tpu.memory_space<vmem>>, vector<1x1024x1xf32>,
    %bitcast_convert_type3A_328 = tpu.bitcast %broadcast_in_dim3A_55 : vector<1024x1xf32> -> vector<1024x1xi32>
    %and3A_329 = arith.constant 4095 : i32
    %and3A_330 = vector.broadcast %and3A_329 : i32 to vector<1024x1xi32>
    %and3A_331 = arith.andi %bitcast_convert_type3A_328, %and3A_330 : vector<1024x1xi32>
    %swap3A_332 = arith.constant 0 : index
    %swap3A_333 = arith.constant 0 : index
    %swap3A_334 = arith.constant 3 : index
    %swap3A_335 = vector.load %arg6[%swap3A_332, %swap3A_333, %swap3A_334] : memref<1x1024x8xi32, #tpu.memory_space<vmem>>, vector<1x1024x1xi32>
    %swap3A_336 = vector.shape_cast %swap3A_335 : vector<1x1024x1xi32> to vector<1024x1xi32>
    %swap3A_337 = vector.shape_cast %and3A_331 : vector<1024x1xi32> to vector<1x1024x1xi32>
    tpu.vector_store %arg6[%swap3A_332, %swap3A_333, %swap3A_334], %swap3A_337 {strides = array<i32>} : memref<1x1024x8xi32, #tpu.memory_space<vmem>>, vector<1x1024x1xi32>,
    %bitcast_convert_type3A_338 = tpu.bitcast %broadcast_in_dim3A_182 : vector<1024x1xf32> -> vector<1024x1xi32>
    %and3A_339 = arith.constant 4095 : i32
    %and3A_340 = vector.broadcast %and3A_339 : i32 to vector<1024x1xi32>
    %and3A_341 = arith.andi %bitcast_convert_type3A_338, %and3A_340 : vector<1024x1xi32>
    %swap3A_342 = arith.constant 0 : index
    %swap3A_343 = arith.constant 0 : index
    %swap3A_344 = arith.constant 3 : index
    %swap3A_345 = vector.load %arg7[%swap3A_342, %swap3A_343, %swap3A_344] : memref<1x1024x8xi32, #tpu.memory_space<vmem>>, vector<1x1024x1xi32>
    %swap3A_346 = vector.shape_cast %swap3A_345 : vector<1x1024x1xi32> to vector<1024x1xi32>
    %swap3A_347 = vector.shape_cast %and3A_341 : vector<1024x1xi32> to vector<1x1024x1xi32>
    tpu.vector_store %arg7[%swap3A_342, %swap3A_343, %swap3A_344], %swap3A_347 {strides = array<i32>} : memref<1x1024x8xi32, #tpu.memory_space<vmem>>, vector<1x1024x1xi32>,
    %mul3A_348 = arith.mulf %exp3A_95, %div3A_134 : vector<1024x1xf32>
    %swap3A_349 = arith.constant 0 : index
    %swap3A_350 = arith.constant 0 : index
    %swap3A_351 = arith.constant 3 : index
    %swap3A_352 = vector.load %arg8[%swap3A_349, %swap3A_350, %swap3A_351] : memref<1x1024x8xf32, #tpu.memory_space<vmem>>, vector<1x1024x1xf32>
    %swap3A_353 = vector.shape_cast %swap3A_352 : vector<1x1024x1xf32> to vector<1024x1xf32>
    %swap3A_354 = vector.shape_cast %mul3A_348 : vector<1024x1xf32> to vector<1x1024x1xf32>
    tpu.vector_store %arg8[%swap3A_349, %swap3A_350, %swap3A_351], %swap3A_354 {strides = array<i32>} : memref<1x1024x8xf32, #tpu.memory_space<vmem>>, vector<1x1024x1xf32>,
    %bitcast_convert_type3A_355 = tpu.bitcast %broadcast_in_dim3A_63 : vector<1024x1xf32> -> vector<1024x1xi32>
    %and3A_356 = arith.constant 4095 : i32
    %and3A_357 = vector.broadcast %and3A_356 : i32 to vector<1024x1xi32>
    %and3A_358 = arith.andi %bitcast_convert_type3A_355, %and3A_357 : vector<1024x1xi32>
    %swap3A_359 = arith.constant 0 : index
    %swap3A_360 = arith.constant 0 : index
    %swap3A_361 = arith.constant 4 : index
    %swap3A_362 = vector.load %arg6[%swap3A_359, %swap3A_360, %swap3A_361] : memref<1x1024x8xi32, #tpu.memory_space<vmem>>, vector<1x1024x1xi32>
    %swap3A_363 = vector.shape_cast %swap3A_362 : vector<1x1024x1xi32> to vector<1024x1xi32>
    %swap3A_364 = vector.shape_cast %and3A_358 : vector<1024x1xi32> to vector<1x1024x1xi32>
    tpu.vector_store %arg6[%swap3A_359, %swap3A_360, %swap3A_361], %swap3A_364 {strides = array<i32>} : memref<1x1024x8xi32, #tpu.memory_space<vmem>>, vector<1x1024x1xi32>,
    %bitcast_convert_type3A_365 = tpu.bitcast %broadcast_in_dim3A_190 : vector<1024x1xf32> -> vector<1024x1xi32>
    %and3A_366 = arith.constant 4095 : i32
    %and3A_367 = vector.broadcast %and3A_366 : i32 to vector<1024x1xi32>
    %and3A_368 = arith.andi %bitcast_convert_type3A_365, %and3A_367 : vector<1024x1xi32>
    %swap3A_369 = arith.constant 0 : index
    %swap3A_370 = arith.constant 0 : index
    %swap3A_371 = arith.constant 4 : index
    %swap3A_372 = vector.load %arg7[%swap3A_369, %swap3A_370, %swap3A_371] : memref<1x1024x8xi32, #tpu.memory_space<vmem>>, vector<1x1024x1xi32>
    %swap3A_373 = vector.shape_cast %swap3A_372 : vector<1x1024x1xi32> to vector<1024x1xi32>
    %swap3A_374 = vector.shape_cast %and3A_368 : vector<1024x1xi32> to vector<1x1024x1xi32>
    tpu.vector_store %arg7[%swap3A_369, %swap3A_370, %swap3A_371], %swap3A_374 {strides = array<i32>} : memref<1x1024x8xi32, #tpu.memory_space<vmem>>, vector<1x1024x1xi32>,
    %mul3A_375 = arith.mulf %exp3A_97, %div3A_134 : vector<1024x1xf32>
    %swap3A_376 = arith.constant 0 : index
    %swap3A_377 = arith.constant 0 : index
    %swap3A_378 = arith.constant 4 : index
    %swap3A_379 = vector.load %arg8[%swap3A_376, %swap3A_377, %swap3A_378] : memref<1x1024x8xf32, #tpu.memory_space<vmem>>, vector<1x1024x1xf32>
    %swap3A_380 = vector.shape_cast %swap3A_379 : vector<1x1024x1xf32> to vector<1024x1xf32>
    %swap3A_381 = vector.shape_cast %mul3A_375 : vector<1024x1xf32> to vector<1x1024x1xf32>
    tpu.vector_store %arg8[%swap3A_376, %swap3A_377, %swap3A_378], %swap3A_381 {strides = array<i32>} : memref<1x1024x8xf32, #tpu.memory_space<vmem>>, vector<1x1024x1xf32>,
    %sub3A_382 = arith.subf %add3A_128, %add3A_247 : vector<1024x1xf32>
    %abs3A = math.absf %sub3A_382 : vector<1024x1xf32>
    %mul3A_383 = arith.mulf %abs3A, %div3A_134 : vector<1024x1xf32>
    %reduce_sum3A_384 = vector.shape_cast %mul3A_383 : vector<1024x1xf32> to vector<1x1024x1xf32>
    %reduce_sum3A_385 = arith.constant dense<0.000000e+00> : vector<1xf32>
    %reduce_sum3A_386 = vector.multi_reduction <add>, %reduce_sum3A_384, %reduce_sum3A_385 [1, 2] : vector<1x1024x1xf32> to vector<1xf32>
    %reduce_sum3A_387 = vector.shape_cast %reduce_sum3A_386 : vector<1xf32> to vector<1x1x1xf32>
    %reduce_sum3A_388 = vector.extract %reduce_sum3A_387[0, 0, 0] : f32 from vector<1x1x1xf32>
    %get3A_389 = arith.constant 0 : index
    %get3A_390 = arith.constant 0 : index
    %get3A_391 = vector.load %arg5[%get3A_389, %get3A_390] : memref<8x128xf32, #tpu.memory_space<vmem>>, vector<8x128xf32>
    %iota3A_392 = tpu.iota {dimensions = array<i32: 0>} : vector<8x128xi32>
    %iota3A_393 = tpu.iota {dimensions = array<i32: 1>} : vector<8x128xi32>
    %eq3A_394 = arith.constant 0 : i32
    %eq3A_395 = vector.broadcast %eq3A_394 : i32 to vector<8x128xi32>
    %eq3A_396 = arith.cmpi eq, %iota3A_392, %eq3A_395 : vector<8x128xi32>
    %eq3A_397 = arith.constant 0 : i32
    %eq3A_398 = vector.broadcast %eq3A_397 : i32 to vector<8x128xi32>
    %eq3A_399 = arith.cmpi eq, %iota3A_393, %eq3A_398 : vector<8x128xi32>
    %and3A_400 = arith.andi %eq3A_396, %eq3A_399 : vector<8x128xi1>
    %jit3A_401 = arith.constant 0.000000e+00 : f32
    %broadcast_in_dim3A_402 = vector.broadcast %reduce_sum3A_388 : f32 to vector<8x128xf32>
    %broadcast_in_dim3A_403 = vector.broadcast %jit3A_401 : f32 to vector<8x128xf32>
    %select_n3A_404 = arith.select %and3A_400, %broadcast_in_dim3A_402, %broadcast_in_dim3A_403 : vector<8x128xi1>, vector<8x128xf32>
    %add3A_405 = arith.addf %get3A_391, %select_n3A_404 : vector<8x128xf32>
    %swap3A_406 = arith.constant 0 : index
    %swap3A_407 = arith.constant 0 : index
    %swap3A_408 = vector.load %arg5[%swap3A_406, %swap3A_407] : memref<8x128xf32, #tpu.memory_space<vmem>>, vector<8x128xf32>
    tpu.vector_store %arg5[%swap3A_406, %swap3A_407], %add3A_405 {strides = array<i32>} : memref<8x128xf32, #tpu.memory_space<vmem>>, vector<8x128xf32>,
    return
  }
  func.func @transform_0(%arg0: i32, %arg1: i32) -> (i32, i32, i32) {
    %c0_i32 = arith.constant 0 : i32
    %c0_i32_0 = arith.constant 0 : i32
    return %arg0, %arg1, %c0_i32 : i32, i32, i32
  }
  func.func @transform_1(%arg0: i32, %arg1: i32) -> (i32, i32, i32) {
    %c0_i32 = arith.constant 0 : i32
    %c0_i32_0 = arith.constant 0 : i32
    %c0_i32_1 = arith.constant 0 : i32
    return %arg0, %c0_i32, %c0_i32_0 : i32, i32, i32
  }
  func.func @transform_2(%arg0: i32, %arg1: i32) -> (i32, i32, i32) {
    %c0_i32 = arith.constant 0 : i32
    %c0_i32_0 = arith.constant 0 : i32
    %c0_i32_1 = arith.constant 0 : i32
    return %arg0, %c0_i32, %c0_i32_0 : i32, i32, i32
  }
  func.func @transform_3(%arg0: i32, %arg1: i32) -> (i32, i32) {
    %c0_i32 = arith.constant 0 : i32
    %c0_i32_0 = arith.constant 0 : i32
    %c0_i32_1 = arith.constant 0 : i32
    return %c0_i32, %c0_i32_0 : i32, i32
  }
  func.func @transform_4(%arg0: i32, %arg1: i32) -> (i32, i32, i32) {
    %c0_i32 = arith.constant 0 : i32
    %c0_i32_0 = arith.constant 0 : i32
    return %arg0, %arg1, %c0_i32 : i32, i32, i32
  }
  func.func @transform_5(%arg0: i32, %arg1: i32) -> (i32, i32, i32) {
    %c0_i32 = arith.constant 0 : i32
    %c0_i32_0 = arith.constant 0 : i32
    return %arg0, %arg1, %c0_i32 : i32, i32, i32
  }
  func.func @transform_6(%arg0: i32, %arg1: i32) -> (i32, i32, i32) {
    %c0_i32 = arith.constant 0 : i32
    %c0_i32_0 = arith.constant 0 : i32
    return %arg0, %arg1, %c0_i32 : i32, i32, i32
  }
}

module attributes {stable_mosaic.version = 14 : i64} {
  func.func @_smooth_kernel(%arg0: memref<2x3x64x64xf32, #tpu.memory_space<vmem>>, %arg1: memref<8x128xf32, #tpu.memory_space<vmem>>) attributes {dimension_semantics = [], scalar_prefetch = 0 : i64, scratch_operands = 0 : i64, tpu.core_type = #tpu.core_type<tc>} {
    %get3A = arith.constant 0 : index
    %get3A_0 = arith.constant 0 : index
    %get3A_1 = arith.constant 0 : index
    %get3A_2 = arith.constant 0 : index
    %get3A_3 = vector.load %arg0[%get3A, %get3A_0, %get3A_1, %get3A_2] : memref<2x3x64x64xf32, #tpu.memory_space<vmem>>, vector<2x3x64x64xf32>
    %broadcast_in_dim3A = arith.constant 0.000000e+00 : f32
    %broadcast_in_dim3A_4 = vector.broadcast %broadcast_in_dim3A : f32 to vector<2x3x62x62xf32>
    %slice3A = vector.extract_strided_slice %get3A_3 {offsets = [0, 0, 0, 0], sizes = [2, 3, 62, 62], strides = [1, 1, 1, 1]} : vector<2x3x64x64xf32> to vector<2x3x62x62xf32>
    %add3A = arith.addf %broadcast_in_dim3A_4, %slice3A : vector<2x3x62x62xf32>
    %slice3A_5 = vector.extract_strided_slice %get3A_3 {offsets = [0, 0, 0, 1], sizes = [2, 3, 62, 62], strides = [1, 1, 1, 1]} : vector<2x3x64x64xf32> to vector<2x3x62x62xf32>
    %add3A_6 = arith.addf %add3A, %slice3A_5 : vector<2x3x62x62xf32>
    %slice3A_7 = vector.extract_strided_slice %get3A_3 {offsets = [0, 0, 0, 2], sizes = [2, 3, 62, 62], strides = [1, 1, 1, 1]} : vector<2x3x64x64xf32> to vector<2x3x62x62xf32>
    %add3A_8 = arith.addf %add3A_6, %slice3A_7 : vector<2x3x62x62xf32>
    %slice3A_9 = vector.extract_strided_slice %get3A_3 {offsets = [0, 0, 1, 0], sizes = [2, 3, 62, 62], strides = [1, 1, 1, 1]} : vector<2x3x64x64xf32> to vector<2x3x62x62xf32>
    %add3A_10 = arith.addf %add3A_8, %slice3A_9 : vector<2x3x62x62xf32>
    %slice3A_11 = vector.extract_strided_slice %get3A_3 {offsets = [0, 0, 1, 1], sizes = [2, 3, 62, 62], strides = [1, 1, 1, 1]} : vector<2x3x64x64xf32> to vector<2x3x62x62xf32>
    %add3A_12 = arith.addf %add3A_10, %slice3A_11 : vector<2x3x62x62xf32>
    %slice3A_13 = vector.extract_strided_slice %get3A_3 {offsets = [0, 0, 1, 2], sizes = [2, 3, 62, 62], strides = [1, 1, 1, 1]} : vector<2x3x64x64xf32> to vector<2x3x62x62xf32>
    %add3A_14 = arith.addf %add3A_12, %slice3A_13 : vector<2x3x62x62xf32>
    %slice3A_15 = vector.extract_strided_slice %get3A_3 {offsets = [0, 0, 2, 0], sizes = [2, 3, 62, 62], strides = [1, 1, 1, 1]} : vector<2x3x64x64xf32> to vector<2x3x62x62xf32>
    %add3A_16 = arith.addf %add3A_14, %slice3A_15 : vector<2x3x62x62xf32>
    %slice3A_17 = vector.extract_strided_slice %get3A_3 {offsets = [0, 0, 2, 1], sizes = [2, 3, 62, 62], strides = [1, 1, 1, 1]} : vector<2x3x64x64xf32> to vector<2x3x62x62xf32>
    %add3A_18 = arith.addf %add3A_16, %slice3A_17 : vector<2x3x62x62xf32>
    %slice3A_19 = vector.extract_strided_slice %get3A_3 {offsets = [0, 0, 2, 2], sizes = [2, 3, 62, 62], strides = [1, 1, 1, 1]} : vector<2x3x64x64xf32> to vector<2x3x62x62xf32>
    %add3A_20 = arith.addf %add3A_18, %slice3A_19 : vector<2x3x62x62xf32>
    %div3A = arith.constant 9.000000e+00 : f32
    %div3A_21 = vector.broadcast %div3A : f32 to vector<2x3x62x62xf32>
    %div3A_22 = arith.divf %add3A_20, %div3A_21 : vector<2x3x62x62xf32>
    %slice3A_23 = vector.extract_strided_slice %get3A_3 {offsets = [0, 0, 1, 1], sizes = [2, 3, 62, 62], strides = [1, 1, 1, 1]} : vector<2x3x64x64xf32> to vector<2x3x62x62xf32>
    %sub3A = arith.subf %slice3A_23, %div3A_22 : vector<2x3x62x62xf32>
    %abs3A = math.absf %sub3A : vector<2x3x62x62xf32>
    %reduce_sum3A = vector.shape_cast %abs3A : vector<2x3x62x62xf32> to vector<1x2x3x62x62xf32>
    %reduce_sum3A_24 = arith.constant dense<0.000000e+00> : vector<1xf32>
    %reduce_sum3A_25 = vector.multi_reduction <add>, %reduce_sum3A, %reduce_sum3A_24 [1, 2, 3, 4] : vector<1x2x3x62x62xf32> to vector<1xf32>
    %reduce_sum3A_26 = vector.shape_cast %reduce_sum3A_25 : vector<1xf32> to vector<1x1x1x1x1xf32>
    %reduce_sum3A_27 = vector.extract %reduce_sum3A_26[0, 0, 0, 0, 0] : f32 from vector<1x1x1x1x1xf32>
    %div3A_28 = arith.constant 2.306400e+04 : f32
    %div3A_29 = arith.divf %reduce_sum3A_27, %div3A_28 : f32
    %iota3A = tpu.iota {dimensions = array<i32: 0>} : vector<8x128xi32>
    %iota3A_30 = tpu.iota {dimensions = array<i32: 1>} : vector<8x128xi32>
    %eq3A = arith.constant 0 : i32
    %eq3A_31 = vector.broadcast %eq3A : i32 to vector<8x128xi32>
    %eq3A_32 = arith.cmpi eq, %iota3A, %eq3A_31 : vector<8x128xi32>
    %eq3A_33 = arith.constant 0 : i32
    %eq3A_34 = vector.broadcast %eq3A_33 : i32 to vector<8x128xi32>
    %eq3A_35 = arith.cmpi eq, %iota3A_30, %eq3A_34 : vector<8x128xi32>
    %and3A = arith.andi %eq3A_32, %eq3A_35 : vector<8x128xi1>
    %jit3A = arith.constant 0.000000e+00 : f32
    %broadcast_in_dim3A_36 = vector.broadcast %div3A_29 : f32 to vector<8x128xf32>
    %broadcast_in_dim3A_37 = vector.broadcast %jit3A : f32 to vector<8x128xf32>
    %select_n3A = arith.select %and3A, %broadcast_in_dim3A_36, %broadcast_in_dim3A_37 : vector<8x128xi1>, vector<8x128xf32>
    %swap3A = arith.constant 0 : index
    %swap3A_38 = arith.constant 0 : index
    %swap3A_39 = vector.load %arg1[%swap3A, %swap3A_38] : memref<8x128xf32, #tpu.memory_space<vmem>>, vector<8x128xf32>
    tpu.vector_store %arg1[%swap3A, %swap3A_38], %select_n3A {strides = array<i32>} : memref<8x128xf32, #tpu.memory_space<vmem>>, vector<8x128xf32>,
    return
  }
}

</mosaic_0001>

<sc_bundles>
// kernel: kernel.6.cloned.1.call-start
scs
__scs_entry_jumppad:
0x0: {  	(pc) =	sbr.rel $0x88, $3  }
0x1: {  	(tag) =	ssettag $0x0;
	lr =	simm.s32 $0x1  }
0x2: {  	[smem:$0x3F9B] =	sst lr;
	_ =	strace $0xD0000000  }
0x3: {  	_ = 	snop  }
0x4: {  	_ = 	snop  }
0x5: {  	_ = 	snop  }
0x6: {  	_ = 	snop  }
0x7: {  	_ = 	snop  }
__scs_overlays_trampoline_lowered:
0x8: {  	[smem:$0x3FAA] =	sst s0  }
0x9: {  	[smem:$0x3FAB] =	sst s1  }
0xa: {  	[smem:$0x3FAC] =	sst s2  }
0xb: {  	[smem:$0x3FAD] =	sst s3  }
0xc: {  	[smem:$0x3FAE] =	sst s4  }
0xd: {  	[smem:$0x3FAF] =	sst s5  }
0xe: {  	[smem:$0x3FB0] =	sst s6  }
0xf: {  	[smem:$0x3FB1] =	sst s7  }
0x10: {  	[smem:$0x3FB2] =	sst s8  }
0x11: {  	[smem:$0x3FB3] =	sst s9;
	s0 =	simm.s32 @!p0 $0x0  }
0x12: {  	s1 =	sld [smem:$0x3F99];
	s0 =	simm.s32 @p0 $0x1  }
0x13: {  	[smem:$0x3FB4] =	sst s0;
	s0 =	simm.s32 @!p1 $0x0  }
0x14: {  	s2 =	sld [smem:$0x3F98];
	s0 =	simm.s32 @p1 $0x1  }
0x15: {  	[smem:$0x3FB5] =	sst s0;
	s0 =	simm.s32 @!p2 $0x0  }
0x16: {  	s3 =	sld [smem:$0x3FDB];
	s0 =	simm.s32 @p2 $0x1  }
0x17: {  	s4 =	simm.s32 $0x1BF5;
	[smem:$0x3FB7] =	sst s0  }
0x18: {  	s0 =	sld [smem:$0x3F9A];
	_ =	swait.ge [sflag:s4], $0x0  }
0x19: {  	s7 =	sld [smem:$0x3F9B]  }
0x1a: {  	s8 =	sadd.s32 $0xFFFFE003, lr  }
0x1b: {  	s9 =	sadd.s32 $0xFFFFFEF7, lr;
	s5 =	simm.s32 $0xFFFFFFFF;
	p2 =	slt.u32 s8, $0xFFFFF086  }
0x1c: {  	p1 =	slt.u32 s9, $0xF7A;
	s5 =	simm.s32 @!p2 $0x0  }
0x1d: {  	s5 =	simm.s32 @p1 $0x1;
	p0 =	seq.s32 s7, s2  }
0x1e: {  	s7 =	smul.u32 @!p0 $0xF7A, s2;
	p2 =	seq.s32 @!p0 s5, $0x0  }
0x1f: {  	s9 =	smul.u32 $0xF7A, s1;
	s8 =	simm.s32 @!p0 $0x1BF5;
	p2 =	por !p2, p0  }
0x20: {  	[sflag:s8] =	ssyncset.s32 @!p0 $0xFFFFF086;
	s6 =	sadd.s32 @!p0 s3, s7;
	s7 =	simm.s32 @!p0 $0x108  }
0x21: {  	s3 =	sadd.s32 s3, s9;
	s6 =	sadd.s32 @!p0 $0x88, s6;
	s7 =	simm.s32 @p2 $0x1082  }
0x22: {  	[simem:s7], [sflag:s8] =	dma.local @!p0 [hbm:s6], $0xF7A  }
0x23: {  	s9 =	sor.u32 $0xD0000000, s2;
	s6 =	simm.s32 $0x108;
	_ =	swait.ge @!p0 [sflag:s8], $0x0  }
0x24: {  	s3 =	sadd.s32 $0x88, s3;
	s6 =	simm.s32 @!p1 $0x1082;
	[sflag:s4] =	ssyncset.s32 $0xFFFFF086  }
0x25: {  	[simem:s6], [sflag:s4] =	dma.local [hbm:s3], $0xF7A  }
0x26: {  	[smem:$0x3F9B] =	sst s1;
	(tag) =	ssettag s2;
	_ =	strace s9  }
0x27: {  	s1 =	sld [smem:$0x3FAB]  }
0x28: {  	s2 =	sld [smem:$0x3FAC]  }
0x29: {  	s4 =	sld [smem:$0x3FAE]  }
0x2a: {  	p0 =	seq.s32 s5, $0x0;
	s5 =	sld [smem:$0x3FAF]  }
0x2b: {  	s6 =	sld [smem:$0x3FB0]  }
0x2c: {  	s7 =	sld [smem:$0x3FB1]  }
0x2d: {  	s3 =	simm.s32 $0x108;
	s8 =	sld [smem:$0x3FB2]  }
0x2e: {  	s3 =	simm.s32 @!p0 $0x1082;
	s9 =	sld [smem:$0x3FB3]  }
0x2f: {  	lr =	sadd.s32 s0, s3;
	s0 =	sld [smem:$0x3FAA]  }
0x30: {  	s3 =	sld [smem:$0x3FAD]  }
0x31: {  	[smem:$0x3FB6] =	sst s10  }
0x32: {  	s10 =	sld [smem:$0x3FB4];
	_ =	sdelay $0x3  }
0x33: {  	p0 =	seq.s32 s10, $0x1;
	s10 =	sld [smem:$0x3FB6];
	_ =	sdelay $0x3  }
0x34: {  	[smem:$0x3FB6] =	sst s10  }
0x35: {  	s10 =	sld [smem:$0x3FB5];
	_ =	sdelay $0x3  }
0x36: {  	p1 =	seq.s32 s10, $0x1;
	s10 =	sld [smem:$0x3FB6];
	_ =	sdelay $0x3  }
0x37: {  	[smem:$0x3FB6] =	sst s10  }
0x38: {  	s10 =	sld [smem:$0x3FB7]  }
0x39: {  	_ = 	snop;
	(pc) =	sbr.ind lr, $3  }
0x3a: {  	_ = 	snop  }
0x3b: {  	_ = 	snop  }
0x3c: {  	p2 =	seq.s32 s10, $0x1;
	s10 =	sld [smem:$0x3FB6]  }
0x3d: {  	_ =	shalt  }
0x3e: {  	_ =	shalt  }
0x3f: {  	_ =	shalt  }
0x40: {  	_ =	shalt  }
0x41: {  	_ =	shalt  }
0x42: {  	_ =	shalt  }
0x43: {  	_ =	shalt  }
0x44: {  	_ =	shalt  }
0x45: {  	_ =	shalt  }
0x46: {  	_ =	shalt  }
0x47: {  	_ =	shalt  }
0x48: {  	_ =	shalt  }
0x49: {  	_ =	shalt  }
0x4a: {  	_ =	shalt  }
0x4b: {  	_ =	shalt  }
0x4c: {  	_ =	shalt  }
0x4d: {  	_ =	shalt  }
0x4e: {  	_ =	shalt  }
0x4f: {  	_ =	shalt  }
0x50: {  	_ =	shalt  }
0x51: {  	_ =	shalt  }
0x52: {  	_ =	shalt  }
0x53: {  	_ =	shalt  }
0x54: {  	_ =	shalt  }
0x55: {  	_ =	shalt  }
0x56: {  	_ =	shalt  }
0x57: {  	_ =	shalt  }
0x58: {  	_ =	shalt  }
0x59: {  	_ =	shalt  }
0x5a: {  	_ =	shalt  }
0x5b: {  	_ =	shalt  }
0x5c: {  	_ =	shalt  }
0x5d: {  	_ =	shalt  }
0x5e: {  	_ =	shalt  }
0x5f: {  	_ =	shalt  }
0x60: {  	_ =	shalt  }
0x61: {  	_ =	shalt  }
0x62: {  	_ =	shalt  }
0x63: {  	_ =	shalt  }
0x64: {  	_ =	shalt  }
0x65: {  	_ =	shalt  }
0x66: {  	_ =	shalt  }
0x67: {  	_ =	shalt  }
0x68: {  	_ =	shalt  }
0x69: {  	_ =	shalt  }
0x6a: {  	_ =	shalt  }
0x6b: {  	_ =	shalt  }
0x6c: {  	_ =	shalt  }
0x6d: {  	_ =	shalt  }
0x6e: {  	_ =	shalt  }
0x6f: {  	_ =	shalt  }
0x70: {  	_ =	shalt  }
0x71: {  	_ =	shalt  }
0x72: {  	_ =	shalt  }
0x73: {  	_ =	shalt  }
0x74: {  	_ =	shalt  }
0x75: {  	_ =	shalt  }
0x76: {  	_ =	shalt  }
0x77: {  	_ =	shalt  }
0x78: {  	_ =	shalt  }
0x79: {  	_ =	shalt  }
0x7a: {  	_ =	shalt  }
0x7b: {  	_ =	shalt  }
0x7c: {  	_ =	shalt  }
0x7d: {  	_ =	shalt  }
0x7e: {  	_ =	shalt  }
0x7f: {  	_ =	shalt  }
0x80: {  	_ =	shalt  }
0x81: {  	_ =	shalt  }
0x82: {  	_ =	shalt  }
0x83: {  	_ =	shalt  }
0x84: {  	_ =	shalt  }
0x85: {  	_ =	shalt  }
0x86: {  	_ =	shalt  }
0x87: {  	_ =	shalt  }
.Lfunc_end0:
.L_simem_size_0:
called_computation_lowered:
.L_overlay_start_0:
0x88: {  	s2 =	sld [smem:$0x3FD9]  }
0x89: {  	s3 =	sld [smem:$0x3FFE];
	_ =	sdelay $0x1  }
0x8a: {  	s1 =	srdreg.scid  }
0x8b: {  	s0 =	sand.u32 $0x1, s1  }
0x8c: {  	s16 =	sshll.u32 s0, $0xA;
	s2 =	sadd.s32 s3, s2  }
0x8d: {  	s2 =	sadd.s32 s2, s16  }
0x8e: {  	[smem:$0x3FC2] =	sst s2  }
0x8f: {  	_ = 	snop  }
0x90: {  	(tm) =	ssettm $0x1  }
0x91: {  	s17 =	sld [smem:$0x3FFB];
	_ =	sdelay $0x3  }
0x92: {  	_ =	strace s17  }
0x93: {  	s2 =	sld [smem:$0x3FFC];
	_ =	sdelay $0x3  }
0x94: {  	_ =	strace s2  }
0x95: {  	s2 =	sld [smem:$0x3FFD];
	_ =	sdelay $0x3  }
0x96: {  	_ =	strace s2  }
0x97: {  	_ =	strace $0x8FFFFFFF  }
0x98: {  	s18 =	sld [smem:$0x3FDB];
	_ =	sdelay $0x1  }
0x99: {  	s19 =	simm.s32 $_scs_section_size  }
0x9a: {  	s4 =	simm.s32 $_size__tile_overlayer_lowered;
	s5 =	simm.s32 $_tile_overlayer_lowered  }
0x9b: {  	s22 =	simm.s32 $0x1BFF;
	s21 =	sshll.u32 s5, $0x1;
	s2 =	sadd.s32 s19, s18  }
0x9c: {  	s6 =	simm.s32 $0x0;
	s20 =	sshll.u32 s4, $0x1;
	s4 =	sadd.s32 s21, s2  }
0x9d: {  	[timem:s6], [sflag:s22] =	dma.local [hbm:s4], s20  }
0x9e: {  	_ =	swait.ge [sflag:s22], s20  }
0x9f: {  	s3 =	ssub.s32 $0x0, s20;
	[sflag:s22] =	ssyncset.done $0x0  }
0xa0: {  	[sflag:s22] =	ssyncadd.s32 s3;
	_ =	sdelay $0x1  }
0xa1: {  	s23 =	simm.s32 $0x1B8B  }
0xa2: {  	_ =	swait.ge [sflag:s23], $0x1  }
0xa3: {  	[sflag:s23] =	ssyncset.done $0x0  }
0xa4: {  	s25 =	simm.s32 $0x1B8E;
	s24 =	sld [smem:$0x3FFE];
	[sflag:s23] =	ssyncadd.s32 $0xFFFFFFFF  }
0xa5: {  	s26 =	simm.s32 $execute0_lowered;
	[smem:$0x3FD2] =	sst s25  }
0xa6: {  	s4 =	sshll.u32 s26, $0x1;
	_ =	strace $0x80000046;
	[dreg:$0x1] =	wrdreg $0xFFFFFFFF  }
0xa7: {  	s28 =	simm.s32 $_size_execute0_lowered;
	s2 =	sadd.s32 s2, s4;
	[dreg:$0x0] =	wrdreg $0x0  }
0xa8: {  	s4 =	sshll.u32 s28, $0x1;
	[dreg:$0x2] =	wrdreg s2  }
0xa9: {  	[dreg:$0x3] =	wrdreg s4  }
0xaa: {  	[dreg:$0x4] =	wrdreg $0xC0  }
0xab: {  	_ =	task [dreg:s6], $0x5FFFF  }
0xac: {  	[dreg:$0x1] =	wrdreg $0xFFFFFFFF  }
0xad: {  	[dreg:$0x0] =	wrdreg $0x60  }
0xae: {  	[dreg:$0x2] =	wrdreg s24  }
0xaf: {  	[dreg:$0x3] =	wrdreg $0x9  }
0xb0: {  	_ =	task.clear_ibuf [dreg:s6], $0x4FFFF;
	_ =	strace $0x90000046  }
0xb1: {  	s29 =	simm.s32 $0x9;
	_ =	strace $0x80000048  }
0xb2: {  	_ =	swait.ge [sflag:s29], $0x1  }
0xb3: {  	[sflag:s29] =	ssyncadd.s32 $0xFFFFFFFF  }
0xb4: {  	_ =	strace $0x90000048  }
0xb5: {  	_ =	sfence  }
0xb6: {  	s30 =	sld [smem:$0x0];
	_ =	sdelay $0x2  }
0xb7: {  	s31 =	sshll.u32 s1, $0xD;
	s1 =	sshrl.u32 s1, $0x2  }
0xb8: {  	s3 =	sand.u32 $0x4000, s31;
	s1 =	sadd.s32 s1, s30  }
0xb9: {  	s0 =	sor.u32 s3, s0;
	s1 =	sshll.u32 s1, $0x11  }
0xba: {  	s0 =	sor.u32 s1, s0  }
0xbb: {  	s0 =	sadd.s32 $0x8F2B, s0  }
0xbc: {  	[sflag:s0] =	ssyncadd.remote.s32 $0x1  }
0xbd: {  	_ =	sfence.sel $0xFFFF  }
0xbe: {  	[dreg:$0x0] =	wrdreg $0xFFFFFFFF;
	(pc) =	sbr.abs _section_cstart, $3  }
0xbf: {  	[dreg:$0x1] =	wrdreg $0xFFFFFFFF  }
0xc0: {  	_ =	task.clear_ibuf [dreg:s6], $0x2FFFF;
	_ =	strace $0x9FFFFFFF  }
0xc1: {  	(tm) =	ssettm $0x7FFFFFFF  }
tec
execute0_lowered:
.L_overlay_start_1:
0x0: {  	(tag) =	ssettag $0x1  }
0x1: {  	s1 =	srdreg.scid  }
0x2: {  	s0 =	stileid.u32;
	s5 =	rddreg [dreg:$0x0];
	s2 =	simm.s32 $0x0  }
0x3: {  	s11 =	simm.s32 $0x100;
	s12 =	simm.s32 $0x1;
	s13 =	simm.s32 $0x3000  }
0x4: {  	s14 =	simm.s32 $0x6000;
	s3 =	sand.u32 $0x1, s1;
	s30 =	sshll.u32 s0, $0x1  }
0x5: {  	s15 =	simm.s32 $0x9000;
	s16 =	simm.s32 $0xB000;
	s4 =	sor.u32 s3, s30  }
0x6: {  	s17 =	simm.s32 $0xF000;
	s18 =	simm.s32 $0x0;
	s1 =	sand.u32 $0xF, s4  }
0x7: {  	s6 =	sshll.u32 s0, $0x4;
	[smem:$0x7FF] =	sst s2;
	s7 =	smul.u32 $0x6000, s1  }
0x8: {  	s6 =	sand.u32 $0x80, s6;
	s3 =	ssub.s32 $0x2, s3;
	s4 =	sshll.u32 s4, $0x4  }
0x9: {  	s31 =	sshrl.u32 s3, $0x1;
	s1 =	rddreg [dreg:$0x1];
	s7 =	sor.u32 s6, s7  }
0xa: {  	_ =	strace $0x80000047;
	s6 =	sshrl.u32 s6, $0x3;
	s7 =	sshrl.u32 s7, $0x3  }
0xb: {  	s9 =	sadd.s32 s4, s5;
	s8 =	sadd.s32 s6, s5;
	s7 =	sadd.s32 s7, s5  }
0xc: {  	s10 =	ssub.s32 s3, s31;
	s6 =	sadd.s32 $0x4A00, s8;
	s3 =	sadd.s32 $0x33A00, s7  }
0xd: {  	v0 =	vlaneseq.u32;
	s4 =	sadd.s32 $0x3FA00, s7;
	s5 =	sadd.s32 $0x4BA00, s7;
	s7 =	sadd.s32 $0x3A00, s8  }
0xe: {  	v0 =	vmul.u32 $0x8, v0;
	s8 =	sadd.s32 $0x5200, s9;
	s9 =	smax.u32 s10, $0x1;
	s10 =	simm.s32 $0x80  }
.LBB2_1:
0xf: {  	[tilespmem:s2], [sflag:$0x1] =	stream.strided.gather [hbm4b:s3+s10], $0x3000, s11, s10, $0x38;
	[tilespmem:$0xF080] =	vst v63  }
0x10: {  	_ =	swait.ge [sflag:s12], $0x3000  }
0x11: {  	[sflag:s12] =	ssyncset.done $0x0  }
0x12: {  	[sflag:s12] =	ssyncadd.s32 $0xFFFFD000  }
0x13: {  	[tilespmem:s13], [sflag:$0x1] =	stream.strided.gather [hbm4b:s4+s10], $0x3000, s11, s10, $0x38;
	[tilespmem:$0xF080] =	vst v63  }
0x14: {  	_ =	swait.ge [sflag:s12], $0x3000  }
0x15: {  	[sflag:s12] =	ssyncset.done $0x0  }
0x16: {  	[sflag:s12] =	ssyncadd.s32 $0xFFFFD000  }
0x17: {  	[tilespmem:s14], [sflag:$0x1] =	stream.strided.gather [hbm4b:s5+s10], $0x3000, s11, s10, $0x38;
	[tilespmem:$0xF080] =	vst v63  }
0x18: {  	_ =	swait.ge [sflag:s12], $0x3000  }
0x19: {  	[sflag:s12] =	ssyncset.done $0x0  }
0x1a: {  	[sflag:s12] =	ssyncadd.s32 $0xFFFFD000  }
0x1b: {  	[tilespmem:s15], [sflag:$0x1] =	stream.strided.gather [hbm4b:s6+s10], $0x2000, s11, s10, $0x38;
	[tilespmem:$0xF080] =	vst v63  }
0x1c: {  	v1 =	vmov s2;
	_ =	swait.ge [sflag:s12], $0x2000  }
0x1d: {  	v1 =	vshll.u32 v1, $0x3;
	[sflag:s12] =	ssyncset.done $0x0  }
0x1e: {  	v1 =	vor.u32 v0, v1;
	[sflag:s12] =	ssyncadd.s32 $0xFFFFE000  }
0x1f: {  	[tilespmem:s16], [sflag:$0x1] =	stream.strided.gather [hbm4b:s7+s10], $0x4000, s11, s10, $0x38;
	[tilespmem:$0xF080] =	vst v63  }
0x20: {  	_ =	swait.ge [sflag:s12], $0x4000  }
0x21: {  	v3 =	vor.u32 $0x1, v1;
	[sflag:s12] =	ssyncset.done $0x0  }
0x22: {  	[sflag:s12] =	ssyncadd.s32 $0xFFFFC000  }
0x23: {  	v4 =	vld.idx.msk [tilespmem:v1+s13+$0x0], $0xffff  }
0x24: {  	v6 =	vor.u32 $0x3, v1;
	v5 =	vld.idx.msk [tilespmem:v1+s2+$0x0], $0xffff  }
0x25: {  	v2 =	vld.idx.msk [tilespmem:v1+s14+$0x0], $0xffff  }
0x26: {  	v8 =	vld.idx.msk [tilespmem:v3+s13+$0x0], $0xffff  }
0x27: {  	v10 =	vor.u32 $0x4, v1;
	v9 =	vld.idx.msk [tilespmem:v3+s2+$0x0], $0xffff  }
0x28: {  	v7 =	vor.u32 $0x2, v1;
	v3 =	vld.idx.msk [tilespmem:v3+s14+$0x0], $0xffff  }
0x29: {  	v1 =	vld.idx.msk [tilespmem:v6+s14+$0x0], $0xffff  }
0x2a: {  	v16 =	vld.idx.msk [tilespmem:v6+s13+$0x0], $0xffff  }
0x2b: {  	v6 =	vld.idx.msk [tilespmem:v6+s2+$0x0], $0xffff  }
0x2c: {  	v14 =	vld.idx.msk [tilespmem:v10+s2+$0x0], $0xffff  }
0x2d: {  	v12 =	vld.idx.msk [tilespmem:v7+s13+$0x0], $0xffff;
	v13 =	vshll.u32 v5, $0x2  }
0x2e: {  	v11 =	vld.idx.msk [tilespmem:v10+s13+$0x0], $0xffff;
	v5 =	vshll.u32 v8, $0x2  }
0x2f: {  	v17 =	vld.idx.msk [tilespmem:v7+s2+$0x0], $0xffff;
	v21 =	vshll.u32 v9, $0x2  }
0x30: {  	v18 =	vshll.u32 v4, $0x2;
	v4 =	vld.idx.msk [tilespmem:v10+s14+$0x0], $0xffff  }
0x31: {  	v28 =	vshll.u32 v6, $0x2;
	v6 =	vld.idx.msk [tilespmem:v7+s14+$0x0], $0xffff;
	v10 =	vshll.u32 v14, $0x2  }
0x32: {  	v19 =	vld.idx.msk [tilespmem:v13+s15+$0x0], $0xffff  }
0x33: {  	v26 =	vshll.u32 v11, $0x2;
	v22 =	vld.idx.msk [tilespmem:v5+s16+$0x0], $0xffff  }
0x34: {  	v8 =	vor.u32 $0x1, v5;
	v23 =	vld.idx.msk [tilespmem:v21+s15+$0x0], $0xffff  }
0x35: {  	v24 =	vshll.u32 v17, $0x2;
	v15 =	vor.u32 $0x2, v5;
	v17 =	vld.idx.msk [tilespmem:v18+s16+$0x0], $0xffff  }
0x36: {  	v20 =	vor.u32 $0x2, v18;
	v29 =	vld.idx.msk [tilespmem:v10+s15+$0x0], $0xffff  }
0x37: {  	v9 =	vor.u32 $0x2, v13;
	v11 =	vld.idx.msk [tilespmem:v28+s15+$0x0], $0xffff  }
0x38: {  	v27 =	vor.u32 $0x1, v26;
	v33 =	vld.idx.msk [tilespmem:v26+s16+$0x0], $0xffff  }
0x39: {  	v30 =	vor.u32 $0x2, v21;
	v8 =	vld.idx.msk [tilespmem:v8+s16+$0x0], $0xffff  }
0x3a: {  	v31 =	vld.idx.msk [tilespmem:v15+s16+$0x0], $0xffff  }
0x3b: {  	v5 =	vor.u32 $0x2, v28;
	v20 =	vld.idx.msk [tilespmem:v20+s16+$0x0], $0xffff  }
0x3c: {  	v14 =	vor.u32 $0x1, v10;
	v25 =	vld.idx.msk [tilespmem:v9+s15+$0x0], $0xffff  }
0x3d: {  	v32 =	vor.u32 $0x1, v21;
	v21 =	vshll.u32 v12, $0x2;
	v12 =	vld.idx.msk [tilespmem:v27+s16+$0x0], $0xffff  }
0x3e: {  	v15 =	vor.u32 $0x1, v24;
	v34 =	vld.idx.msk [tilespmem:v30+s15+$0x0], $0xffff  }
0x3f: {  	v27 =	vld.idx.msk [tilespmem:v24+s15+$0x0], $0xffff  }
0x40: {  	v7 =	vld.idx.msk [tilespmem:v5+s15+$0x0], $0xffff;
	v5 =	vor.u32 $0x2, v10  }
0x41: {  	v10 =	vld.idx.msk [tilespmem:v14+s15+$0x0], $0xffff;
	v14 =	vor.u32 $0x2, v26  }
0x42: {  	v18 =	vor.u32 $0x1, v18;
	v26 =	vsub.f32 v19, v17;
	v22 =	vsub.f32 v23, v22;
	v23 =	vld.idx.msk [tilespmem:v32+s15+$0x0], $0xffff  }
0x43: {  	v16 =	vshll.u32 v16, $0x2;
	v35 =	vor.u32 $0x2, v21;
	v9 =	vld.idx.msk [tilespmem:v15+s15+$0x0], $0xffff;
	v20 =	vsub.f32 v25, v20  }
0x44: {  	v63 =	vsub.f32 v29, v33;
	v29 =	vor.u32 $0x1, v13;
	v25 =	vmul.f32 v26, v2;
	v26 =	vld.idx.msk [tilespmem:v21+s16+$0x0], $0xffff  }
0x45: {  	v19 =	vor.u32 $0x1, v16;
	v30 =	vmul.f32 v20, v2;
	v15 =	vld.idx.msk [tilespmem:v5+s15+$0x0], $0xffff  }
0x46: {  	v28 =	vor.u32 $0x1, v28;
	v31 =	vsub.f32 v34, v31;
	v22 =	vmul.f32 v22, v3;
	v17 =	vld.idx.msk [tilespmem:v14+s16+$0x0], $0xffff  }
0x47: {  	v14 =	vor.u32 $0x2, v24;
	v24 =	vadd.f32 $0.0e+00, v30;
	v30 =	vadd.f32 $0.0e+00, v25;
	v25 =	vld.idx.msk [tilespmem:v18+s16+$0x0], $0xffff  }
0x48: {  	s19 =	simm.s32 $0x10;
	v13 =	vmul.f32 v63, v4;
	v20 =	vor.u32 $0x2, v16;
	v5 =	vimm.f32 $0.0e+00;
	v18 =	vld.idx.msk [tilespmem:v35+s16+$0x0], $0xffff  }
.LBB2_2:
0x49: {  	v32 =	vmov s19;
	p0 =	sne.s32 s19, $0x5F0;
	s19 =	sadd.s32 $0x10, s19;
	v29 =	vld.idx.msk [tilespmem:v29+s15+$0x0], $0xffff;
	v22 =	vadd.f32 v22, v30;
	v21 =	vor.u32 $0x1, v21  }
0x4a: {  	v8 =	vsub.f32 v23, v8;
	v30 =	vshll.u32 v32, $0x3;
	v23 =	vmul.f32 v31, v3;
	v19 =	vld.idx.msk [tilespmem:v19+s16+$0x0], $0xffff  }
0x4b: {  	v15 =	vsub.f32 v15, v17;
	v30 =	vor.u32 v0, v30;
	v16 =	vld.idx.msk [tilespmem:v16+s16+$0x0], $0xffff  }
0x4c: {  	v17 =	vadd.f32 v23, v24;
	v23 =	vsub.f32 v27, v26;
	v24 =	vld.idx.msk [tilespmem:v28+s15+$0x0], $0xffff  }
0x4d: {  	v26 =	vor.u32 $0x1, v30;
	v20 =	vld.idx.msk [tilespmem:v20+s16+$0x0], $0xffff  }
0x4e: {  	v15 =	vmul.f32 v15, v4;
	v23 =	vmul.f32 v23, v6;
	v14 =	vld.idx.msk [tilespmem:v14+s15+$0x0], $0xffff  }
0x4f: {  	v27 =	vor.u32 $0x2, v30;
	v25 =	vsub.f32 v29, v25;
	v21 =	vld.idx.msk [tilespmem:v21+s16+$0x0], $0xffff  }
0x50: {  	v28 =	vld.idx.msk [tilespmem:v30+s13+$0x0], $0xffff;
	v22 =	vadd.f32 v23, v22  }
0x51: {  	v29 =	vor.u32 $0x3, v30;
	v25 =	vmul.f32 v25, v2;
	v11 =	vsub.f32 v11, v16;
	v23 =	vld.idx.msk [tilespmem:v30+s2+$0x0], $0xffff  }
0x52: {  	v16 =	vsub.f32 v24, v19;
	v2 =	vld.idx.msk [tilespmem:v30+s14+$0x0], $0xffff  }
0x53: {  	v10 =	vsub.f32 v10, v12;
	v8 =	vmul.f32 v8, v3;
	v24 =	vor.u32 $0x4, v30;
	v19 =	vld.idx.msk [tilespmem:v26+s13+$0x0], $0xffff  }
0x54: {  	v11 =	vmul.f32 v11, v1;
	v7 =	vsub.f32 v7, v20;
	v14 =	vsub.f32 v14, v18;
	v12 =	vld.idx.msk [tilespmem:v26+s2+$0x0], $0xffff  }
0x55: {  	v10 =	vmul.f32 v10, v4;
	v18 =	vadd.f32 $0.0e+00, v25;
	v16 =	vmul.f32 v16, v1;
	v3 =	vld.idx.msk [tilespmem:v26+s14+$0x0], $0xffff  }
0x56: {  	v4 =	vsub.f32 v9, v21;
	v7 =	vmul.f32 v7, v1;
	v9 =	vmul.f32 v14, v6;
	v1 =	vld.idx.msk [tilespmem:v29+s14+$0x0], $0xffff  }
0x57: {  	v11 =	vadd.f32 v11, v22;
	v20 =	vshll.u32 v28, $0x2;
	v8 =	vadd.f32 v8, v18;
	v21 =	vld.idx.msk [tilespmem:v27+s13+$0x0], $0xffff  }
0x58: {  	v18 =	vshll.u32 v23, $0x2;
	v25 =	vor.u32 $0x1, v20;
	v4 =	vmul.f32 v4, v6;
	v22 =	vld.idx.msk [tilespmem:v29+s13+$0x0], $0xffff  }
0x59: {  	v23 =	vor.u32 $0x2, v18;
	v9 =	vadd.f32 v9, v17;
	v6 =	vshll.u32 v19, $0x2;
	v14 =	vld.idx.msk [tilespmem:v29+s2+$0x0], $0xffff  }
0x5a: {  	v11 =	vadd.f32 v13, v11;
	v17 =	vor.u32 $0x1, v6;
	v19 =	vor.u32 $0x2, v6;
	v26 =	vld.idx.msk [tilespmem:v24+s13+$0x0], $0xffff  }
0x5b: {  	v4 =	vadd.f32 v4, v8;
	v7 =	vadd.f32 v7, v9;
	v13 =	vld.idx.msk [tilespmem:v24+s2+$0x0], $0xffff  }
0x5c: {  	v8 =	vand.u32 $0x7FFFFFFF, v11;
	v9 =	vld.idx.msk [tilespmem:v27+s2+$0x0], $0xffff  }
0x5d: {  	v11 =	vadd.f32 v16, v4;
	v7 =	vadd.f32 v15, v7;
	v28 =	vld.idx.msk [tilespmem:v18+s15+$0x0], $0xffff  }
0x5e: {  	v5 =	vadd.f32 v8, v5;
	v15 =	vor.u32 $0x2, v20;
	v4 =	vld.idx.msk [tilespmem:v24+s14+$0x0], $0xffff  }
0x5f: {  	v12 =	vshll.u32 v12, $0x2;
	v10 =	vadd.f32 v10, v11;
	v8 =	vld.idx.msk [tilespmem:v17+s16+$0x0], $0xffff  }
0x60: {  	v31 =	vshll.u32 v14, $0x2;
	v17 =	vld.idx.msk [tilespmem:v6+s16+$0x0], $0xffff  }
0x61: {  	v7 =	vand.u32 $0x7FFFFFFF, v7;
	v10 =	vand.u32 $0x7FFFFFFF, v10;
	v11 =	vor.u32 $0x2, v31;
	v32 =	vld.idx.msk [tilespmem:v19+s16+$0x0], $0xffff  }
0x62: {  	v5 =	vadd.f32 v10, v5;
	v6 =	vld.idx.msk [tilespmem:v27+s14+$0x0], $0xffff  }
0x63: {  	v27 =	vshll.u32 v9, $0x2;
	v9 =	vshll.u32 v13, $0x2;
	v24 =	vld.idx.msk [tilespmem:v15+s16+$0x0], $0xffff  }
0x64: {  	v5 =	vadd.f32 v7, v5;
	v14 =	vor.u32 $0x2, v27;
	v13 =	vor.u32 $0x1, v9;
	v10 =	vld.idx.msk [tilespmem:v12+s15+$0x0], $0xffff  }
0x65: {  	v15 =	vld.idx.msk [tilespmem:v20+s16+$0x0], $0xffff;
	v20 =	vor.u32 $0x1, v27  }
0x66: {  	v29 =	vor.u32 $0x2, v9;
	v7 =	vld.idx.msk [tilespmem:v11+s15+$0x0], $0xffff  }
0x67: {  	v23 =	vld.idx.msk [tilespmem:v23+s15+$0x0], $0xffff  }
0x68: {  	v16 =	vshll.u32 v22, $0x2;
	v26 =	vshll.u32 v26, $0x2;
	v30 =	vld.idx.msk [tilespmem:v9+s15+$0x0], $0xffff  }
0x69: {  	v33 =	vor.u32 $0x2, v12;
	v34 =	vor.u32 $0x1, v26;
	v19 =	vor.u32 $0x1, v16;
	v11 =	vld.idx.msk [tilespmem:v31+s15+$0x0], $0xffff  }
0x6a: {  	v35 =	vor.u32 $0x1, v12;
	v17 =	vsub.f32 v10, v17;
	v10 =	vld.idx.msk [tilespmem:v13+s15+$0x0], $0xffff  }
0x6b: {  	v12 =	vsub.f32 v28, v15;
	v13 =	vor.u32 $0x2, v26;
	v9 =	vld.idx.msk [tilespmem:v20+s15+$0x0], $0xffff  }
0x6c: {  	v22 =	vmul.f32 v17, v3;
	v15 =	vld.idx.msk [tilespmem:v29+s15+$0x0], $0xffff  }
0x6d: {  	v21 =	vshll.u32 v21, $0x2;
	v28 =	vmul.f32 v12, v2;
	v17 =	vsub.f32 v23, v24;
	v36 =	vld.idx.msk [tilespmem:v26+s16+$0x0], $0xffff  }
0x6e: {  	v20 =	vor.u32 $0x2, v16;
	v12 =	vld.idx.msk [tilespmem:v34+s16+$0x0], $0xffff  }
0x6f: {  	v23 =	vmul.f32 v17, v2;
	v33 =	vld.idx.msk [tilespmem:v33+s15+$0x0], $0xffff  }
0x70: {  	v34 =	vor.u32 $0x2, v21;
	v17 =	vld.idx.msk [tilespmem:v13+s16+$0x0], $0xffff  }
.Ltmp0:
0x71: {  	v29 =	vor.u32 $0x1, v18;
	v24 =	vadd.f32 $0.0e+00, v23;
	v23 =	vld.idx.msk [tilespmem:v35+s15+$0x0], $0xffff;
	(pc) =	sbr.rel @p0 .LBB2_2-.Ltmp0, $4  }
0x72: {  	v26 =	vld.idx.msk [tilespmem:v21+s16+$0x0], $0xffff  }
0x73: {  	v13 =	vsub.f32 v30, v36;
	v27 =	vld.idx.msk [tilespmem:v27+s15+$0x0], $0xffff  }
0x74: {  	v30 =	vadd.f32 $0.0e+00, v28;
	v28 =	vor.u32 $0x1, v31;
	v25 =	vld.idx.msk [tilespmem:v25+s16+$0x0], $0xffff  }
0x75: {  	v31 =	vsub.f32 v33, v32;
	v13 =	vmul.f32 v13, v4;
	v18 =	vld.idx.msk [tilespmem:v34+s16+$0x0], $0xffff  }
0x76: {  	_ =	sdelay $0x2  }
0x77: {  	v21 =	vor.u32 $0x1, v21  }
0x78: {  	v29 =	vld.idx.msk [tilespmem:v29+s15+$0x0], $0xffff;
	_ =	sdelay $0x1  }
0x79: {  	v19 =	vld.idx.msk [tilespmem:v19+s16+$0x0], $0xffff  }
0x7a: {  	v16 =	vld.idx.msk [tilespmem:v16+s16+$0x0], $0xffff  }
0x7b: {  	v21 =	vld.idx.msk [tilespmem:v21+s16+$0x0], $0xffff  }
0x7c: {  	v14 =	vld.idx.msk [tilespmem:v14+s15+$0x0], $0xffff;
	v25 =	vsub.f32 v29, v25  }
0x7d: {  	v28 =	vld.idx.msk [tilespmem:v28+s15+$0x0], $0xffff;
	v22 =	vadd.f32 v22, v30;
	v26 =	vsub.f32 v27, v26  }
0x7e: {  	v8 =	vsub.f32 v23, v8;
	v59 =	vsub.f32 v10, v12;
	v2 =	vmul.f32 v25, v2  }
0x7f: {  	v20 =	vld.idx.msk [tilespmem:v20+s16+$0x0], $0xffff;
	v55 =	vmul.f32 v31, v3;
	v26 =	vmul.f32 v26, v6;
	v11 =	vsub.f32 v11, v16  }
0x80: {  	v3 =	vmul.f32 v8, v3;
	v2 =	vadd.f32 $0.0e+00, v2;
	v57 =	vsub.f32 v9, v21  }
0x81: {  	v14 =	vsub.f32 v14, v18;
	v22 =	vadd.f32 v26, v22;
	v11 =	vmul.f32 v11, v1  }
0x82: {  	v58 =	vsub.f32 v28, v19;
	v2 =	vadd.f32 v3, v2;
	v3 =	vmul.f32 v57, v6  }
0x83: {  	v56 =	vadd.f32 v55, v24;
	v60 =	vmul.f32 v14, v6;
	v61 =	vadd.f32 v11, v22  }
0x84: {  	v7 =	vsub.f32 v7, v20;
	v9 =	vmul.f32 v58, v1;
	v2 =	vadd.f32 v3, v2  }
0x85: {  	v8 =	vmul.f32 v59, v4;
	v62 =	vadd.f32 v13, v61;
	v6 =	vadd.f32 v60, v56  }
0x86: {  	v1 =	vmul.f32 v7, v1;
	v3 =	vsub.f32 v15, v17;
	v2 =	vadd.f32 v9, v2  }
0x87: {  	v63 =	vand.u32 $0x7FFFFFFF, v62  }
0x88: {  	v1 =	vadd.f32 v1, v6;
	v3 =	vmul.f32 v3, v4;
	v2 =	vadd.f32 v8, v2  }
0x89: {  	v4 =	vadd.f32 v63, v5  }
0x8a: {  	v1 =	vadd.f32 v3, v1;
	v2 =	vand.u32 $0x7FFFFFFF, v2  }
0x8b: {  	v2 =	vadd.f32 v2, v4  }
0x8c: {  	v1 =	vand.u32 $0x7FFFFFFF, v1  }
0x8d: {  	s18 =	sadd.s32 $0x1, s18;
	v1 =	vadd.f32 v1, v2  }
0x8e: {  	p0 =	sne.s32 s18, s9  }
.Ltmp1:
0x8f: {  	[tilespmem:$0xF000] =	vst v1;
	(pc) =	sbr.rel @p0 .LBB2_1-.Ltmp1, $4  }
0x90: {  	[hbm4b:s8+s2] =	stream.linear.scatter [tilespmem:s17], [sflag:$0x1], $0x80, $0x38;
	[tilespmem:$0xF080] =	vst v63  }
0x91: {  	_ =	swait.ge [sflag:s12], $0x80  }
0x92: {  	[sflag:s12] =	ssyncset.done $0x0  }
0x93: {  	[sflag:s12] =	ssyncadd.s32 $0xFFFFFF80  }
0x94: {  	_ =	sfence.sel $0x180000  }
0x95: {  	[bflag:$0x0] =	sbarrier.arrive $0xFFFF  }
0x96: {  	p0 =	sne.s32 s0, $0x0;
	_ =	strace $0x90000047  }
0x97: {  	s0 =	sadd.s32 @!p0 $0x100000, s1;
	[bflag:$0x2] =	sbarrier.arrive $0xFFFF  }
0x98: {  	[sflag:s0] =	ssyncadd.tile.s32 @!p0 $0x1;
	_ =	shalt  }
.Lfunc_end2:
_tile_overlayer_lowered:
.L_overlay_start_2:
0x99: {  	(tag) =	ssettag $0x2  }
0x9a: {  	s0 =	rddreg [dreg:$0x0];
	s2 =	stileid.u32  }
0x9b: {  	s1 =	rddreg [dreg:$0x1];
	p0 =	sne.s32 s2, $0x0  }
0x9c: {  	s3 =	rddreg [dreg:$0x2];
	[bflag:$0x3] =	sbarrier.arrive $0xFFFF;
	s2 =	simm.s32 @!p0 $0x1C01  }
0x9d: {  	[timem:s3], [sflag:s2] =	dma.local @!p0 [hbm:s0], s1  }
0x9e: {  	s0 =	simm.s32 @!p0 $0x1  }
0x9f: {  	_ =	swait.ge @!p0 [sflag:s0], s1  }
0xa0: {  	s1 =	ssub.s32 @!p0 $0x0, s1;
	[sflag:s0] =	ssyncset.done @!p0 $0x0  }
0xa1: {  	[sflag:s0] =	ssyncadd.s32 @!p0 s1  }
0xa2: {  	[bflag:$0x3] =	sbarrier.arrive $0xFFFF  }
0xa3: {  	_ =	shalt  }

</sc_bundles>
